<compile_context>
chip_gen: v7x
topology: tpu7x:2x2x1
jax: 0.10.2.dev20260603
libtpu: 0.0.44.dev20260713+nightly
codegen_flags: <defaults>
</compile_context>

<pallas_src>
import functools

import jax
import jax.numpy as jnp
from jax import lax
from jax.experimental import pallas as pl
from jax.experimental.pallas import tpu as pltpu
from jax.experimental.pallas import tpu_sc as plsc

_B, _S, _D = 8, 1024, 384
_K = 1024
_N = _B * _S
_TS = 512
_CHUNK_BLOCKS = (4, 4, 4, 4)


def _tc_body(x_ref, ct_ref, idx_ref, loss_ref):
    i = pl.program_id(0)
    xb = x_ref[...]
    ct = ct_ref[...]
    xc = lax.dot_general(
        xb, ct, (((1,), (0,)), ((), ())),
        preferred_element_type=jnp.float32,
    )
    x2 = jnp.sum(xb * xb, axis=1, keepdims=True)
    c2 = jnp.sum(ct * ct, axis=0, keepdims=True)
    dist = x2 + c2 - 2.0 * xc
    dmin = jnp.min(dist, axis=1, keepdims=True)
    iota = lax.broadcasted_iota(jnp.int32, (_TS, _K), 1) | jnp.int32(0x3F800000)
    masked = jnp.where(dist == dmin, iota, jnp.int32(0x3F800000 | _K))
    keymin = jnp.min(lax.bitcast_convert_type(masked, jnp.float32), axis=1)
    idx = lax.bitcast_convert_type(keymin, jnp.int32) & jnp.int32(0xFFFF)
    idx_ref[0, 0, :] = idx

    @pl.when(i == 0)
    def _():
        loss_ref[...] = jnp.zeros((1, 1), jnp.float32)

    loss_ref[...] += jnp.sum(dmin, keepdims=True)


@functools.cache
def _make_tc_call(block_base, nblocks):
    return pl.pallas_call(
        _tc_body,
        grid=(nblocks,),
        in_specs=[
            pl.BlockSpec((_TS, _D), lambda i: (block_base + i, 0)),
            pl.BlockSpec((_D, _K), lambda i: (0, 0)),
        ],
        out_specs=[
            pl.BlockSpec((1, 1, _TS), lambda i: (i, 0, 0)),
            pl.BlockSpec((1, 1), lambda i: (0, 0)),
        ],
        out_shape=[
            jax.ShapeDtypeStruct((nblocks, 1, _TS), jnp.int32),
            jax.ShapeDtypeStruct((1, 1), jnp.float32),
        ],
    )


@functools.cache
def _make_sc_gather(chunk_base, ntok):
    info = plsc.get_sparse_core_info()
    nc, ns = info.num_cores, info.num_subcores
    nw = nc * ns
    bpw = ntok // nw
    mesh = plsc.VectorSubcoreMesh(core_axis_name="c", subcore_axis_name="s")

    @functools.partial(
        pl.kernel,
        mesh=mesh,
        out_type=(),
        scratch_types=[
            pltpu.VMEM((bpw,), jnp.int32),
            pltpu.VMEM((bpw, _D), jnp.float32),
            pltpu.SemaphoreType.DMA,
        ],
    )
    def gather(idx_hbm, table_hbm, out_ref, idx_v, rows_v, sem):
        wid = lax.axis_index("s") * nc + lax.axis_index("c")
        base = wid * bpw
        pltpu.sync_copy(idx_hbm.at[pl.ds(base, bpw)], idx_v)
        pltpu.async_copy(table_hbm.at[idx_v], rows_v, sem).wait()
        pltpu.sync_copy(rows_v, out_ref.at[pl.ds(chunk_base + base, bpw)])

    return gather


def kernel(x, codebook):
    xf = x.reshape(_N, _D)
    ct = codebook.T
    out_ref = jax.empty_ref(jax.ShapeDtypeStruct((_N, _D), jnp.float32))
    idx_chunks = []
    loss = None
    block_base = 0
    for nb in _CHUNK_BLOCKS:
        ntok = nb * _TS
        idx3, lsum = _make_tc_call(block_base, nb)(xf, ct)
        idx_flat = idx3.reshape(ntok)
        idx_chunks.append(idx_flat)
        _make_sc_gather(block_base * _TS, ntok)(idx_flat, codebook, out_ref)
        loss = lsum if loss is None else loss + lsum
        block_base += nb
    indices = jnp.concatenate(idx_chunks).reshape(_B, _S)
    x_quantized = jax.freeze(out_ref).reshape(_B, _S, _D)
    commit_loss = loss[0, 0] / jnp.float32(_N * _D)
    return (x_quantized, indices, commit_loss)

# --- scband reference (transcript-rebuilt; emitter-appended) ---
"""Pipeline reference for scband-quantize-23244363006485 (READ-ONLY COPY).

The authoritative reference and input builder live on the scoring server;
editing this copy changes nothing except your own understanding.
"""

import jax, jax.numpy as jnp
import numpy as np

B, S, D = 8, 1024, 384
K = 1024
COMMIT_W = 1.0


def setup_inputs(seed: int = 0) -> dict:
    key = jax.random.key(seed)
    k1, k2 = jax.random.split(key)
    x = jax.random.normal(k1, (B, S, D), dtype=jnp.float32)
    # learned codebook (post kmeans-init snapshot), sized per init_kwargs
    codebook = jax.random.normal(k2, (K, D), dtype=jnp.float32)
    return {"x": x, "codebook": codebook}


def reference(x, codebook):
    # VQ forward (eval-mode, EMA updates are no-ops w.r.t. the math here):
    # 1) squared euclidean distances from every token to every code
    x2 = jnp.sum(x * x, axis=-1, keepdims=True)            # (B, S, 1)
    c2 = jnp.sum(codebook * codebook, axis=-1)             # (K,)
    xc = jnp.einsum('bsd,kd->bsk', x, codebook)            # (B, S, K)
    dist = x2 + c2[None, None, :] - 2.0 * xc               # (B, S, K)
    # 2) nearest-code indices
    indices = jnp.argmin(dist, axis=-1)                    # (B, S) int
    # 3) gather codes (embedding lookup)
    quantize = jnp.take(codebook, indices, axis=0)         # (B, S, D)
    # 4) commitment loss
    commit_loss = jnp.mean((jax.lax.stop_gradient(quantize) - x) ** 2) * COMMIT_W
    # 5) straight-through estimator
    x_quantized = x + jax.lax.stop_gradient(quantize - x)
    return (x_quantized, indices, commit_loss)

if __name__ == "__main__":
    import jax
    _d = setup_inputs()
    print(jax.jit(kernel)(*tuple(_d.values())))

</pallas_src>

<mosaic_0001>
#map = affine_map<(d0, d1) -> (0)>
#map1 = affine_map<(d0, d1) -> (0, 0)>
module attributes {stable_mosaic.version = 14 : i64} {
  func.func @new_body(%arg0: i32, %arg1: i32, %arg2: memref<2048xi32, #tpu.memory_space<hbm>>, %arg3: memref<1024x384xf32, #tpu.memory_space<hbm>>, %arg4: memref<8192x384xf32, #tpu.memory_space<hbm>>, %arg5: memref<8192x384xf32, #tpu.memory_space<hbm>>, %arg6: memref<64xi32, #tpu.memory_space<vmem>>, %arg7: memref<64x384xf32, #tpu.memory_space<vmem>>, %arg8: memref<!tpu.dma_semaphore, #tpu.memory_space<semaphore_mem>>) attributes {dimension_semantics = [#tpu.dimension_semantics<core_parallel>, #tpu.dimension_semantics<subcore_parallel>], iteration_bounds = array<i64: 2, 16>, scalar_prefetch = 0 : i64, scratch_operands = 3 : i64, tpu.core_type = #tpu.core_type<sc_vector_subcore>, window_params = [{transform_indices = #map}, {transform_indices = #map1}, {transform_indices = #map1}, {transform_indices = #map1}]} {
    %mul3A = arith.constant 2 : i32
    %mul3A_0 = arith.muli %arg1, %mul3A : i32
    %add3A = arith.addi %mul3A_0, %arg0 : i32
    %mul3A_1 = arith.constant 64 : i32
    %mul3A_2 = arith.muli %add3A, %mul3A_1 : i32
    "tpu.region"() ({
      %run_scoped3A = tpu.sem_alloc : memref<!tpu.dma_semaphore, #tpu.memory_space<semaphore_mem>>
      %dma_start3A_9 = tpu.memref_slice %arg2[%mul3A_2] : memref<2048xi32, #tpu.memory_space<hbm>> -> memref<64xi32, #tpu.memory_space<hbm>>
      %dma_start3A_10 = tpu.memref_slice %arg2[%mul3A_2] : memref<2048xi32, #tpu.memory_space<hbm>> -> memref<64xi32, #tpu.memory_space<hbm>>
      tpu.enqueue_dma source(%dma_start3A_10 : memref<64xi32, #tpu.memory_space<hbm>>) target(%arg6 : memref<64xi32, #tpu.memory_space<vmem>>) target_semaphore(%run_scoped3A : memref<!tpu.dma_semaphore, #tpu.memory_space<semaphore_mem>>)
      %dma_wait3A_11 = tpu.memref_slice %arg2[%mul3A_2] : memref<2048xi32, #tpu.memory_space<hbm>> -> memref<64xi32, #tpu.memory_space<hbm>>
      %dma_wait3A_12 = tpu.memref_slice %arg2[%mul3A_2] : memref<2048xi32, #tpu.memory_space<hbm>> -> memref<64xi32, #tpu.memory_space<hbm>>
      tpu.wait_dma2 semaphore(%run_scoped3A : memref<!tpu.dma_semaphore, #tpu.memory_space<semaphore_mem>>) src(%dma_wait3A_12 : memref<64xi32, #tpu.memory_space<hbm>>) dst(%arg6 : memref<64xi32, #tpu.memory_space<vmem>>)
      tpu.yield
    }) : () -> ()
    %dma_start3A = arith.constant 0 : i32
    %dma_start3A_3 = arith.constant 0 : i32
    %dma_start3A_4 = tpu.memref_slice %arg3[%dma_start3A, %dma_start3A_3] : memref<1024x384xf32, #tpu.memory_space<hbm>> -> memref<1024x384xf32, #tpu.memory_space<hbm>>
    tpu.enqueue_indirect_dma source(%dma_start3A_4 : memref<1024x384xf32, #tpu.memory_space<hbm>>) target(%arg7 : memref<64x384xf32, #tpu.memory_space<vmem>>) offsets(%arg6 : memref<64xi32, #tpu.memory_space<vmem>>) semaphore(%arg8 : memref<!tpu.dma_semaphore, #tpu.memory_space<semaphore_mem>>)
    %dma_wait3A = arith.constant 0 : i32
    %dma_wait3A_5 = arith.constant 0 : i32
    %dma_wait3A_6 = tpu.memref_slice %arg3[%dma_wait3A, %dma_wait3A_5] : memref<1024x384xf32, #tpu.memory_space<hbm>> -> memref<1024x384xf32, #tpu.memory_space<hbm>>
    tpu.wait_indirect_dma semaphore(%arg8 : memref<!tpu.dma_semaphore, #tpu.memory_space<semaphore_mem>>) src(%dma_wait3A_6 : memref<1024x384xf32, #tpu.memory_space<hbm>>) dst(%arg7 : memref<64x384xf32, #tpu.memory_space<vmem>>)
    %add3A_7 = arith.constant 4096 : i32
    %add3A_8 = arith.addi %add3A_7, %mul3A_2 : i32
    "tpu.region"() ({
      %run_scoped3A = tpu.sem_alloc : memref<!tpu.dma_semaphore, #tpu.memory_space<semaphore_mem>>
      %dma_start3A_9 = arith.constant 0 : i32
      %dma_start3A_10 = tpu.memref_slice %arg4[%add3A_8, %dma_start3A_9] : memref<8192x384xf32, #tpu.memory_space<hbm>> -> memref<64x384xf32, #tpu.memory_space<hbm>>
      %dma_start3A_11 = arith.constant 0 : i32
      %dma_start3A_12 = tpu.memref_slice %arg4[%add3A_8, %dma_start3A_11] : memref<8192x384xf32, #tpu.memory_space<hbm>> -> memref<64x384xf32, #tpu.memory_space<hbm>>
      tpu.enqueue_dma source(%arg7 : memref<64x384xf32, #tpu.memory_space<vmem>>) target(%dma_start3A_12 : memref<64x384xf32, #tpu.memory_space<hbm>>) target_semaphore(%run_scoped3A : memref<!tpu.dma_semaphore, #tpu.memory_space<semaphore_mem>>)
      %dma_wait3A_13 = arith.constant 0 : i32
      %dma_wait3A_14 = tpu.memref_slice %arg4[%add3A_8, %dma_wait3A_13] : memref<8192x384xf32, #tpu.memory_space<hbm>> -> memref<64x384xf32, #tpu.memory_space<hbm>>
      %dma_wait3A_15 = arith.constant 0 : i32
      %dma_wait3A_16 = tpu.memref_slice %arg4[%add3A_8, %dma_wait3A_15] : memref<8192x384xf32, #tpu.memory_space<hbm>> -> memref<64x384xf32, #tpu.memory_space<hbm>>
      tpu.wait_dma2 semaphore(%run_scoped3A : memref<!tpu.dma_semaphore, #tpu.memory_space<semaphore_mem>>) src(%arg7 : memref<64x384xf32, #tpu.memory_space<vmem>>) dst(%dma_wait3A_16 : memref<64x384xf32, #tpu.memory_space<hbm>>)
      tpu.yield
    }) : () -> ()
    return
  }
}

#map = affine_map<(d0, d1) -> (0)>
#map1 = affine_map<(d0, d1) -> (0, 0)>
module attributes {stable_mosaic.version = 14 : i64} {
  func.func @new_body(%arg0: i32, %arg1: i32, %arg2: memref<2048xi32, #tpu.memory_space<hbm>>, %arg3: memref<1024x384xf32, #tpu.memory_space<hbm>>, %arg4: memref<8192x384xf32, #tpu.memory_space<hbm>>, %arg5: memref<8192x384xf32, #tpu.memory_space<hbm>>, %arg6: memref<64xi32, #tpu.memory_space<vmem>>, %arg7: memref<64x384xf32, #tpu.memory_space<vmem>>, %arg8: memref<!tpu.dma_semaphore, #tpu.memory_space<semaphore_mem>>) attributes {dimension_semantics = [#tpu.dimension_semantics<core_parallel>, #tpu.dimension_semantics<subcore_parallel>], iteration_bounds = array<i64: 2, 16>, scalar_prefetch = 0 : i64, scratch_operands = 3 : i64, tpu.core_type = #tpu.core_type<sc_vector_subcore>, window_params = [{transform_indices = #map}, {transform_indices = #map1}, {transform_indices = #map1}, {transform_indices = #map1}]} {
    %mul3A = arith.constant 2 : i32
    %mul3A_0 = arith.muli %arg1, %mul3A : i32
    %add3A = arith.addi %mul3A_0, %arg0 : i32
    %mul3A_1 = arith.constant 64 : i32
    %mul3A_2 = arith.muli %add3A, %mul3A_1 : i32
    "tpu.region"() ({
      %run_scoped3A = tpu.sem_alloc : memref<!tpu.dma_semaphore, #tpu.memory_space<semaphore_mem>>
      %dma_start3A_9 = tpu.memref_slice %arg2[%mul3A_2] : memref<2048xi32, #tpu.memory_space<hbm>> -> memref<64xi32, #tpu.memory_space<hbm>>
      %dma_start3A_10 = tpu.memref_slice %arg2[%mul3A_2] : memref<2048xi32, #tpu.memory_space<hbm>> -> memref<64xi32, #tpu.memory_space<hbm>>
      tpu.enqueue_dma source(%dma_start3A_10 : memref<64xi32, #tpu.memory_space<hbm>>) target(%arg6 : memref<64xi32, #tpu.memory_space<vmem>>) target_semaphore(%run_scoped3A : memref<!tpu.dma_semaphore, #tpu.memory_space<semaphore_mem>>)
      %dma_wait3A_11 = tpu.memref_slice %arg2[%mul3A_2] : memref<2048xi32, #tpu.memory_space<hbm>> -> memref<64xi32, #tpu.memory_space<hbm>>
      %dma_wait3A_12 = tpu.memref_slice %arg2[%mul3A_2] : memref<2048xi32, #tpu.memory_space<hbm>> -> memref<64xi32, #tpu.memory_space<hbm>>
      tpu.wait_dma2 semaphore(%run_scoped3A : memref<!tpu.dma_semaphore, #tpu.memory_space<semaphore_mem>>) src(%dma_wait3A_12 : memref<64xi32, #tpu.memory_space<hbm>>) dst(%arg6 : memref<64xi32, #tpu.memory_space<vmem>>)
      tpu.yield
    }) : () -> ()
    %dma_start3A = arith.constant 0 : i32
    %dma_start3A_3 = arith.constant 0 : i32
    %dma_start3A_4 = tpu.memref_slice %arg3[%dma_start3A, %dma_start3A_3] : memref<1024x384xf32, #tpu.memory_space<hbm>> -> memref<1024x384xf32, #tpu.memory_space<hbm>>
    tpu.enqueue_indirect_dma source(%dma_start3A_4 : memref<1024x384xf32, #tpu.memory_space<hbm>>) target(%arg7 : memref<64x384xf32, #tpu.memory_space<vmem>>) offsets(%arg6 : memref<64xi32, #tpu.memory_space<vmem>>) semaphore(%arg8 : memref<!tpu.dma_semaphore, #tpu.memory_space<semaphore_mem>>)
    %dma_wait3A = arith.constant 0 : i32
    %dma_wait3A_5 = arith.constant 0 : i32
    %dma_wait3A_6 = tpu.memref_slice %arg3[%dma_wait3A, %dma_wait3A_5] : memref<1024x384xf32, #tpu.memory_space<hbm>> -> memref<1024x384xf32, #tpu.memory_space<hbm>>
    tpu.wait_indirect_dma semaphore(%arg8 : memref<!tpu.dma_semaphore, #tpu.memory_space<semaphore_mem>>) src(%dma_wait3A_6 : memref<1024x384xf32, #tpu.memory_space<hbm>>) dst(%arg7 : memref<64x384xf32, #tpu.memory_space<vmem>>)
    %add3A_7 = arith.constant 0 : i32
    %add3A_8 = arith.addi %add3A_7, %mul3A_2 : i32
    "tpu.region"() ({
      %run_scoped3A = tpu.sem_alloc : memref<!tpu.dma_semaphore, #tpu.memory_space<semaphore_mem>>
      %dma_start3A_9 = arith.constant 0 : i32
      %dma_start3A_10 = tpu.memref_slice %arg4[%add3A_8, %dma_start3A_9] : memref<8192x384xf32, #tpu.memory_space<hbm>> -> memref<64x384xf32, #tpu.memory_space<hbm>>
      %dma_start3A_11 = arith.constant 0 : i32
      %dma_start3A_12 = tpu.memref_slice %arg4[%add3A_8, %dma_start3A_11] : memref<8192x384xf32, #tpu.memory_space<hbm>> -> memref<64x384xf32, #tpu.memory_space<hbm>>
      tpu.enqueue_dma source(%arg7 : memref<64x384xf32, #tpu.memory_space<vmem>>) target(%dma_start3A_12 : memref<64x384xf32, #tpu.memory_space<hbm>>) target_semaphore(%run_scoped3A : memref<!tpu.dma_semaphore, #tpu.memory_space<semaphore_mem>>)
      %dma_wait3A_13 = arith.constant 0 : i32
      %dma_wait3A_14 = tpu.memref_slice %arg4[%add3A_8, %dma_wait3A_13] : memref<8192x384xf32, #tpu.memory_space<hbm>> -> memref<64x384xf32, #tpu.memory_space<hbm>>
      %dma_wait3A_15 = arith.constant 0 : i32
      %dma_wait3A_16 = tpu.memref_slice %arg4[%add3A_8, %dma_wait3A_15] : memref<8192x384xf32, #tpu.memory_space<hbm>> -> memref<64x384xf32, #tpu.memory_space<hbm>>
      tpu.wait_dma2 semaphore(%run_scoped3A : memref<!tpu.dma_semaphore, #tpu.memory_space<semaphore_mem>>) src(%arg7 : memref<64x384xf32, #tpu.memory_space<vmem>>) dst(%dma_wait3A_16 : memref<64x384xf32, #tpu.memory_space<hbm>>)
      tpu.yield
    }) : () -> ()
    return
  }
}

#map = affine_map<(d0, d1) -> (0)>
#map1 = affine_map<(d0, d1) -> (0, 0)>
module attributes {stable_mosaic.version = 14 : i64} {
  func.func @new_body(%arg0: i32, %arg1: i32, %arg2: memref<2048xi32, #tpu.memory_space<hbm>>, %arg3: memref<1024x384xf32, #tpu.memory_space<hbm>>, %arg4: memref<8192x384xf32, #tpu.memory_space<hbm>>, %arg5: memref<8192x384xf32, #tpu.memory_space<hbm>>, %arg6: memref<64xi32, #tpu.memory_space<vmem>>, %arg7: memref<64x384xf32, #tpu.memory_space<vmem>>, %arg8: memref<!tpu.dma_semaphore, #tpu.memory_space<semaphore_mem>>) attributes {dimension_semantics = [#tpu.dimension_semantics<core_parallel>, #tpu.dimension_semantics<subcore_parallel>], iteration_bounds = array<i64: 2, 16>, scalar_prefetch = 0 : i64, scratch_operands = 3 : i64, tpu.core_type = #tpu.core_type<sc_vector_subcore>, window_params = [{transform_indices = #map}, {transform_indices = #map1}, {transform_indices = #map1}, {transform_indices = #map1}]} {
    %mul3A = arith.constant 2 : i32
    %mul3A_0 = arith.muli %arg1, %mul3A : i32
    %add3A = arith.addi %mul3A_0, %arg0 : i32
    %mul3A_1 = arith.constant 64 : i32
    %mul3A_2 = arith.muli %add3A, %mul3A_1 : i32
    "tpu.region"() ({
      %run_scoped3A = tpu.sem_alloc : memref<!tpu.dma_semaphore, #tpu.memory_space<semaphore_mem>>
      %dma_start3A_9 = tpu.memref_slice %arg2[%mul3A_2] : memref<2048xi32, #tpu.memory_space<hbm>> -> memref<64xi32, #tpu.memory_space<hbm>>
      %dma_start3A_10 = tpu.memref_slice %arg2[%mul3A_2] : memref<2048xi32, #tpu.memory_space<hbm>> -> memref<64xi32, #tpu.memory_space<hbm>>
      tpu.enqueue_dma source(%dma_start3A_10 : memref<64xi32, #tpu.memory_space<hbm>>) target(%arg6 : memref<64xi32, #tpu.memory_space<vmem>>) target_semaphore(%run_scoped3A : memref<!tpu.dma_semaphore, #tpu.memory_space<semaphore_mem>>)
      %dma_wait3A_11 = tpu.memref_slice %arg2[%mul3A_2] : memref<2048xi32, #tpu.memory_space<hbm>> -> memref<64xi32, #tpu.memory_space<hbm>>
      %dma_wait3A_12 = tpu.memref_slice %arg2[%mul3A_2] : memref<2048xi32, #tpu.memory_space<hbm>> -> memref<64xi32, #tpu.memory_space<hbm>>
      tpu.wait_dma2 semaphore(%run_scoped3A : memref<!tpu.dma_semaphore, #tpu.memory_space<semaphore_mem>>) src(%dma_wait3A_12 : memref<64xi32, #tpu.memory_space<hbm>>) dst(%arg6 : memref<64xi32, #tpu.memory_space<vmem>>)
      tpu.yield
    }) : () -> ()
    %dma_start3A = arith.constant 0 : i32
    %dma_start3A_3 = arith.constant 0 : i32
    %dma_start3A_4 = tpu.memref_slice %arg3[%dma_start3A, %dma_start3A_3] : memref<1024x384xf32, #tpu.memory_space<hbm>> -> memref<1024x384xf32, #tpu.memory_space<hbm>>
    tpu.enqueue_indirect_dma source(%dma_start3A_4 : memref<1024x384xf32, #tpu.memory_space<hbm>>) target(%arg7 : memref<64x384xf32, #tpu.memory_space<vmem>>) offsets(%arg6 : memref<64xi32, #tpu.memory_space<vmem>>) semaphore(%arg8 : memref<!tpu.dma_semaphore, #tpu.memory_space<semaphore_mem>>)
    %dma_wait3A = arith.constant 0 : i32
    %dma_wait3A_5 = arith.constant 0 : i32
    %dma_wait3A_6 = tpu.memref_slice %arg3[%dma_wait3A, %dma_wait3A_5] : memref<1024x384xf32, #tpu.memory_space<hbm>> -> memref<1024x384xf32, #tpu.memory_space<hbm>>
    tpu.wait_indirect_dma semaphore(%arg8 : memref<!tpu.dma_semaphore, #tpu.memory_space<semaphore_mem>>) src(%dma_wait3A_6 : memref<1024x384xf32, #tpu.memory_space<hbm>>) dst(%arg7 : memref<64x384xf32, #tpu.memory_space<vmem>>)
    %add3A_7 = arith.constant 2048 : i32
    %add3A_8 = arith.addi %add3A_7, %mul3A_2 : i32
    "tpu.region"() ({
      %run_scoped3A = tpu.sem_alloc : memref<!tpu.dma_semaphore, #tpu.memory_space<semaphore_mem>>
      %dma_start3A_9 = arith.constant 0 : i32
      %dma_start3A_10 = tpu.memref_slice %arg4[%add3A_8, %dma_start3A_9] : memref<8192x384xf32, #tpu.memory_space<hbm>> -> memref<64x384xf32, #tpu.memory_space<hbm>>
      %dma_start3A_11 = arith.constant 0 : i32
      %dma_start3A_12 = tpu.memref_slice %arg4[%add3A_8, %dma_start3A_11] : memref<8192x384xf32, #tpu.memory_space<hbm>> -> memref<64x384xf32, #tpu.memory_space<hbm>>
      tpu.enqueue_dma source(%arg7 : memref<64x384xf32, #tpu.memory_space<vmem>>) target(%dma_start3A_12 : memref<64x384xf32, #tpu.memory_space<hbm>>) target_semaphore(%run_scoped3A : memref<!tpu.dma_semaphore, #tpu.memory_space<semaphore_mem>>)
      %dma_wait3A_13 = arith.constant 0 : i32
      %dma_wait3A_14 = tpu.memref_slice %arg4[%add3A_8, %dma_wait3A_13] : memref<8192x384xf32, #tpu.memory_space<hbm>> -> memref<64x384xf32, #tpu.memory_space<hbm>>
      %dma_wait3A_15 = arith.constant 0 : i32
      %dma_wait3A_16 = tpu.memref_slice %arg4[%add3A_8, %dma_wait3A_15] : memref<8192x384xf32, #tpu.memory_space<hbm>> -> memref<64x384xf32, #tpu.memory_space<hbm>>
      tpu.wait_dma2 semaphore(%run_scoped3A : memref<!tpu.dma_semaphore, #tpu.memory_space<semaphore_mem>>) src(%arg7 : memref<64x384xf32, #tpu.memory_space<vmem>>) dst(%dma_wait3A_16 : memref<64x384xf32, #tpu.memory_space<hbm>>)
      tpu.yield
    }) : () -> ()
    return
  }
}

#map = affine_map<(d0, d1) -> (0)>
#map1 = affine_map<(d0, d1) -> (0, 0)>
module attributes {stable_mosaic.version = 14 : i64} {
  func.func @new_body(%arg0: i32, %arg1: i32, %arg2: memref<2048xi32, #tpu.memory_space<hbm>>, %arg3: memref<1024x384xf32, #tpu.memory_space<hbm>>, %arg4: memref<8192x384xf32, #tpu.memory_space<hbm>>, %arg5: memref<8192x384xf32, #tpu.memory_space<hbm>>, %arg6: memref<64xi32, #tpu.memory_space<vmem>>, %arg7: memref<64x384xf32, #tpu.memory_space<vmem>>, %arg8: memref<!tpu.dma_semaphore, #tpu.memory_space<semaphore_mem>>) attributes {dimension_semantics = [#tpu.dimension_semantics<core_parallel>, #tpu.dimension_semantics<subcore_parallel>], iteration_bounds = array<i64: 2, 16>, scalar_prefetch = 0 : i64, scratch_operands = 3 : i64, tpu.core_type = #tpu.core_type<sc_vector_subcore>, window_params = [{transform_indices = #map}, {transform_indices = #map1}, {transform_indices = #map1}, {transform_indices = #map1}]} {
    %mul3A = arith.constant 2 : i32
    %mul3A_0 = arith.muli %arg1, %mul3A : i32
    %add3A = arith.addi %mul3A_0, %arg0 : i32
    %mul3A_1 = arith.constant 64 : i32
    %mul3A_2 = arith.muli %add3A, %mul3A_1 : i32
    "tpu.region"() ({
      %run_scoped3A = tpu.sem_alloc : memref<!tpu.dma_semaphore, #tpu.memory_space<semaphore_mem>>
      %dma_start3A_9 = tpu.memref_slice %arg2[%mul3A_2] : memref<2048xi32, #tpu.memory_space<hbm>> -> memref<64xi32, #tpu.memory_space<hbm>>
      %dma_start3A_10 = tpu.memref_slice %arg2[%mul3A_2] : memref<2048xi32, #tpu.memory_space<hbm>> -> memref<64xi32, #tpu.memory_space<hbm>>
      tpu.enqueue_dma source(%dma_start3A_10 : memref<64xi32, #tpu.memory_space<hbm>>) target(%arg6 : memref<64xi32, #tpu.memory_space<vmem>>) target_semaphore(%run_scoped3A : memref<!tpu.dma_semaphore, #tpu.memory_space<semaphore_mem>>)
      %dma_wait3A_11 = tpu.memref_slice %arg2[%mul3A_2] : memref<2048xi32, #tpu.memory_space<hbm>> -> memref<64xi32, #tpu.memory_space<hbm>>
      %dma_wait3A_12 = tpu.memref_slice %arg2[%mul3A_2] : memref<2048xi32, #tpu.memory_space<hbm>> -> memref<64xi32, #tpu.memory_space<hbm>>
      tpu.wait_dma2 semaphore(%run_scoped3A : memref<!tpu.dma_semaphore, #tpu.memory_space<semaphore_mem>>) src(%dma_wait3A_12 : memref<64xi32, #tpu.memory_space<hbm>>) dst(%arg6 : memref<64xi32, #tpu.memory_space<vmem>>)
      tpu.yield
    }) : () -> ()
    %dma_start3A = arith.constant 0 : i32
    %dma_start3A_3 = arith.constant 0 : i32
    %dma_start3A_4 = tpu.memref_slice %arg3[%dma_start3A, %dma_start3A_3] : memref<1024x384xf32, #tpu.memory_space<hbm>> -> memref<1024x384xf32, #tpu.memory_space<hbm>>
    tpu.enqueue_indirect_dma source(%dma_start3A_4 : memref<1024x384xf32, #tpu.memory_space<hbm>>) target(%arg7 : memref<64x384xf32, #tpu.memory_space<vmem>>) offsets(%arg6 : memref<64xi32, #tpu.memory_space<vmem>>) semaphore(%arg8 : memref<!tpu.dma_semaphore, #tpu.memory_space<semaphore_mem>>)
    %dma_wait3A = arith.constant 0 : i32
    %dma_wait3A_5 = arith.constant 0 : i32
    %dma_wait3A_6 = tpu.memref_slice %arg3[%dma_wait3A, %dma_wait3A_5] : memref<1024x384xf32, #tpu.memory_space<hbm>> -> memref<1024x384xf32, #tpu.memory_space<hbm>>
    tpu.wait_indirect_dma semaphore(%arg8 : memref<!tpu.dma_semaphore, #tpu.memory_space<semaphore_mem>>) src(%dma_wait3A_6 : memref<1024x384xf32, #tpu.memory_space<hbm>>) dst(%arg7 : memref<64x384xf32, #tpu.memory_space<vmem>>)
    %add3A_7 = arith.constant 6144 : i32
    %add3A_8 = arith.addi %add3A_7, %mul3A_2 : i32
    "tpu.region"() ({
      %run_scoped3A = tpu.sem_alloc : memref<!tpu.dma_semaphore, #tpu.memory_space<semaphore_mem>>
      %dma_start3A_9 = arith.constant 0 : i32
      %dma_start3A_10 = tpu.memref_slice %arg4[%add3A_8, %dma_start3A_9] : memref<8192x384xf32, #tpu.memory_space<hbm>> -> memref<64x384xf32, #tpu.memory_space<hbm>>
      %dma_start3A_11 = arith.constant 0 : i32
      %dma_start3A_12 = tpu.memref_slice %arg4[%add3A_8, %dma_start3A_11] : memref<8192x384xf32, #tpu.memory_space<hbm>> -> memref<64x384xf32, #tpu.memory_space<hbm>>
      tpu.enqueue_dma source(%arg7 : memref<64x384xf32, #tpu.memory_space<vmem>>) target(%dma_start3A_12 : memref<64x384xf32, #tpu.memory_space<hbm>>) target_semaphore(%run_scoped3A : memref<!tpu.dma_semaphore, #tpu.memory_space<semaphore_mem>>)
      %dma_wait3A_13 = arith.constant 0 : i32
      %dma_wait3A_14 = tpu.memref_slice %arg4[%add3A_8, %dma_wait3A_13] : memref<8192x384xf32, #tpu.memory_space<hbm>> -> memref<64x384xf32, #tpu.memory_space<hbm>>
      %dma_wait3A_15 = arith.constant 0 : i32
      %dma_wait3A_16 = tpu.memref_slice %arg4[%add3A_8, %dma_wait3A_15] : memref<8192x384xf32, #tpu.memory_space<hbm>> -> memref<64x384xf32, #tpu.memory_space<hbm>>
      tpu.wait_dma2 semaphore(%run_scoped3A : memref<!tpu.dma_semaphore, #tpu.memory_space<semaphore_mem>>) src(%arg7 : memref<64x384xf32, #tpu.memory_space<vmem>>) dst(%dma_wait3A_16 : memref<64x384xf32, #tpu.memory_space<hbm>>)
      tpu.yield
    }) : () -> ()
    return
  }
}

module attributes {stable_mosaic.version = 14 : i64} {
  func.func @_tc_body(%arg0: i32, %arg1: memref<512x384xf32, #tpu.memory_space<vmem>>, %arg2: memref<384x1024xf32, #tpu.memory_space<vmem>>, %arg3: memref<1x1x512xi32, #tpu.memory_space<vmem>>, %arg4: memref<1x1xf32, #tpu.memory_space<vmem>>) attributes {dimension_semantics = [#tpu.dimension_semantics<arbitrary>], iteration_bounds = array<i64: 4>, scalar_prefetch = 0 : i64, scratch_operands = 0 : i64, tpu.core_type = #tpu.core_type<tc>, window_params = [{transform_indices = @transform_0, window_bounds = array<i64: 512, 384>}, {pipeline_mode = #tpu.pipeline_mode<synchronous>, transform_indices = @transform_1, window_bounds = array<i64: 384, 1024>}, {transform_indices = @transform_2, window_bounds = array<i64: 1, 1, 512>}, {pipeline_mode = #tpu.pipeline_mode<synchronous>, transform_indices = @transform_3, window_bounds = array<i64: 1, 1>}]} {
    %get3A = arith.constant 0 : index
    %get3A_0 = arith.constant 0 : index
    %get3A_1 = vector.load %arg1[%get3A, %get3A_0] : memref<512x384xf32, #tpu.memory_space<vmem>>, vector<512x384xf32>
    %get3A_2 = arith.constant 0 : index
    %get3A_3 = arith.constant 0 : index
    %get3A_4 = vector.load %arg2[%get3A_2, %get3A_3] : memref<384x1024xf32, #tpu.memory_space<vmem>>, vector<384x1024xf32>
    %dot_general3A = arith.constant dense<0.000000e+00> : vector<512x1024xf32>
    %dot_general3A_5 = tpu.matmul %get3A_1, %get3A_4, %dot_general3A {dimension_numbers = #tpu.dot_dimension_numbers<[1], [0], [0], [1], [0, 0, 1, 1], [], []>, transpose_lhs_hint = false} : vector<512x384xf32>, vector<384x1024xf32>, vector<512x1024xf32> -> vector<512x1024xf32>
    %mul3A = arith.mulf %get3A_1, %get3A_1 : vector<512x384xf32>
    %reduce_sum3A = arith.constant dense<0.000000e+00> : vector<512xf32>
    %reduce_sum3A_6 = vector.multi_reduction <add>, %mul3A, %reduce_sum3A [1] : vector<512x384xf32> to vector<512xf32>
    %broadcast_in_dim3A = vector.shape_cast %reduce_sum3A_6 : vector<512xf32> to vector<512x1xf32>
    %mul3A_7 = arith.mulf %get3A_4, %get3A_4 : vector<384x1024xf32>
    %reduce_sum3A_8 = arith.constant dense<0.000000e+00> : vector<1024xf32>
    %reduce_sum3A_9 = vector.multi_reduction <add>, %mul3A_7, %reduce_sum3A_8 [0] : vector<384x1024xf32> to vector<1024xf32>
    %broadcast_in_dim3A_10 = vector.shape_cast %reduce_sum3A_9 : vector<1024xf32> to vector<1x1024xf32>
    %add3A = vector.broadcast %broadcast_in_dim3A : vector<512x1xf32> to vector<512x1024xf32>
    %add3A_11 = vector.broadcast %broadcast_in_dim3A_10 : vector<1x1024xf32> to vector<512x1024xf32>
    %add3A_12 = arith.addf %add3A, %add3A_11 : vector<512x1024xf32>
    %mul3A_13 = arith.constant 2.000000e+00 : f32
    %mul3A_14 = vector.broadcast %mul3A_13 : f32 to vector<512x1024xf32>
    %mul3A_15 = arith.mulf %mul3A_14, %dot_general3A_5 : vector<512x1024xf32>
    %sub3A = arith.subf %add3A_12, %mul3A_15 : vector<512x1024xf32>
    %reduce_min3A = arith.constant dense<0x7F800000> : vector<512xf32>
    %reduce_min3A_16 = vector.multi_reduction <minimumf>, %sub3A, %reduce_min3A [1] : vector<512x1024xf32> to vector<512xf32>
    %broadcast_in_dim3A_17 = vector.shape_cast %reduce_min3A_16 : vector<512xf32> to vector<512x1xf32>
    %iota3A = tpu.iota {dimensions = array<i32: 1>} : vector<512x1024xi32>
    %or3A = arith.constant 1065353216 : i32
    %or3A_18 = vector.broadcast %or3A : i32 to vector<512x1024xi32>
    %or3A_19 = arith.ori %iota3A, %or3A_18 : vector<512x1024xi32>
    %eq3A = vector.broadcast %broadcast_in_dim3A_17 : vector<512x1xf32> to vector<512x1024xf32>
    %eq3A_20 = arith.cmpf oeq, %sub3A, %eq3A : vector<512x1024xf32>
    %jit3A = arith.constant 1065354240 : i32
    %broadcast_in_dim3A_21 = vector.broadcast %jit3A : i32 to vector<512x1024xi32>
    %select_n3A = arith.select %eq3A_20, %or3A_19, %broadcast_in_dim3A_21 : vector<512x1024xi1>, vector<512x1024xi32>
    %bitcast_convert_type3A = tpu.bitcast %select_n3A : vector<512x1024xi32> -> vector<512x1024xf32>
    %reduce_min3A_22 = arith.constant dense<0x7F800000> : vector<512xf32>
    %reduce_min3A_23 = vector.multi_reduction <minimumf>, %bitcast_convert_type3A, %reduce_min3A_22 [1] : vector<512x1024xf32> to vector<512xf32>
    %bitcast_convert_type3A_24 = tpu.bitcast %reduce_min3A_23 : vector<512xf32> -> vector<512xi32>
    %and3A = arith.constant 65535 : i32
    %and3A_25 = vector.broadcast %and3A : i32 to vector<512xi32>
    %and3A_26 = arith.andi %bitcast_convert_type3A_24, %and3A_25 : vector<512xi32>
    %swap3A = arith.constant 0 : index
    %swap3A_27 = arith.constant 0 : index
    %swap3A_28 = arith.constant 0 : index
    %swap3A_29 = vector.load %arg3[%swap3A, %swap3A_27, %swap3A_28] : memref<1x1x512xi32, #tpu.memory_space<vmem>>, vector<1x1x512xi32>
    %swap3A_30 = vector.shape_cast %swap3A_29 : vector<1x1x512xi32> to vector<512xi32>
    %swap3A_31 = vector.shape_cast %and3A_26 : vector<512xi32> to vector<1x1x512xi32>
    tpu.vector_store %arg3[%swap3A, %swap3A_27, %swap3A_28], %swap3A_31 {strides = array<i32>} : memref<1x1x512xi32, #tpu.memory_space<vmem>>, vector<1x1x512xi32>,
    %eq3A_32 = arith.constant 0 : i32
    %eq3A_33 = arith.cmpi eq, %arg0, %eq3A_32 : i32
    %convert_element_type3A = arith.extui %eq3A_33 : i1 to i32
    %cond3A = arith.constant 0 : i32
    %cond3A_34 = arith.cmpi ne, %convert_element_type3A, %cond3A : i32
    scf.if %cond3A_34 {
      %broadcast_in_dim3A_48 = arith.constant 0.000000e+00 : f32
      %broadcast_in_dim3A_49 = vector.broadcast %broadcast_in_dim3A_48 : f32 to vector<1x1xf32>
      %swap3A_50 = arith.constant 0 : index
      %swap3A_51 = arith.constant 0 : index
      %swap3A_52 = vector.load %arg4[%swap3A_50, %swap3A_51] : memref<1x1xf32, #tpu.memory_space<vmem>>, vector<1x1xf32>
      tpu.vector_store %arg4[%swap3A_50, %swap3A_51], %broadcast_in_dim3A_49 {strides = array<i32>} : memref<1x1xf32, #tpu.memory_space<vmem>>, vector<1x1xf32>,
    } else {
    }
    %get3A_35 = arith.constant 0 : index
    %get3A_36 = arith.constant 0 : index
    %get3A_37 = vector.load %arg4[%get3A_35, %get3A_36] : memref<1x1xf32, #tpu.memory_space<vmem>>, vector<1x1xf32>
    %reduce_sum3A_38 = vector.shape_cast %broadcast_in_dim3A_17 : vector<512x1xf32> to vector<1x512x1xf32>
    %reduce_sum3A_39 = arith.constant dense<0.000000e+00> : vector<1xf32>
    %reduce_sum3A_40 = vector.multi_reduction <add>, %reduce_sum3A_38, %reduce_sum3A_39 [1, 2] : vector<1x512x1xf32> to vector<1xf32>
    %reduce_sum3A_41 = vector.shape_cast %reduce_sum3A_40 : vector<1xf32> to vector<1x1x1xf32>
    %reduce_sum3A_42 = vector.extract %reduce_sum3A_41[0, 0, 0] : f32 from vector<1x1x1xf32>
    %broadcast_in_dim3A_43 = vector.broadcast %reduce_sum3A_42 : f32 to vector<1x1xf32>
    %add3A_44 = arith.addf %get3A_37, %broadcast_in_dim3A_43 : vector<1x1xf32>
    %swap3A_45 = arith.constant 0 : index
    %swap3A_46 = arith.constant 0 : index
    %swap3A_47 = vector.load %arg4[%swap3A_45, %swap3A_46] : memref<1x1xf32, #tpu.memory_space<vmem>>, vector<1x1xf32>
    tpu.vector_store %arg4[%swap3A_45, %swap3A_46], %add3A_44 {strides = array<i32>} : memref<1x1xf32, #tpu.memory_space<vmem>>, vector<1x1xf32>,
    return
  }
  func.func @transform_0(%arg0: i32) -> (i32, i32) {
    %add3A = arith.constant 4 : i32
    %add3A_0 = arith.addi %add3A, %arg0 : i32
    %c0_i32 = arith.constant 0 : i32
    %c0_i32_1 = arith.constant 0 : i32
    return %add3A_0, %c0_i32 : i32, i32
  }
  func.func @transform_1(%arg0: i32) -> (i32, i32) {
    %c0_i32 = arith.constant 0 : i32
    %c0_i32_0 = arith.constant 0 : i32
    %c0_i32_1 = arith.constant 0 : i32
    return %c0_i32, %c0_i32_0 : i32, i32
  }
  func.func @transform_2(%arg0: i32) -> (i32, i32, i32) {
    %c0_i32 = arith.constant 0 : i32
    %c0_i32_0 = arith.constant 0 : i32
    %c0_i32_1 = arith.constant 0 : i32
    return %arg0, %c0_i32, %c0_i32_0 : i32, i32, i32
  }
  func.func @transform_3(%arg0: i32) -> (i32, i32) {
    %c0_i32 = arith.constant 0 : i32
    %c0_i32_0 = arith.constant 0 : i32
    %c0_i32_1 = arith.constant 0 : i32
    return %c0_i32, %c0_i32_0 : i32, i32
  }
}

module attributes {stable_mosaic.version = 14 : i64} {
  func.func @_tc_body(%arg0: i32, %arg1: memref<512x384xf32, #tpu.memory_space<vmem>>, %arg2: memref<384x1024xf32, #tpu.memory_space<vmem>>, %arg3: memref<1x1x512xi32, #tpu.memory_space<vmem>>, %arg4: memref<1x1xf32, #tpu.memory_space<vmem>>) attributes {dimension_semantics = [#tpu.dimension_semantics<arbitrary>], iteration_bounds = array<i64: 4>, scalar_prefetch = 0 : i64, scratch_operands = 0 : i64, tpu.core_type = #tpu.core_type<tc>, window_params = [{transform_indices = @transform_0, window_bounds = array<i64: 512, 384>}, {pipeline_mode = #tpu.pipeline_mode<synchronous>, transform_indices = @transform_1, window_bounds = array<i64: 384, 1024>}, {transform_indices = @transform_2, window_bounds = array<i64: 1, 1, 512>}, {pipeline_mode = #tpu.pipeline_mode<synchronous>, transform_indices = @transform_3, window_bounds = array<i64: 1, 1>}]} {
    %get3A = arith.constant 0 : index
    %get3A_0 = arith.constant 0 : index
    %get3A_1 = vector.load %arg1[%get3A, %get3A_0] : memref<512x384xf32, #tpu.memory_space<vmem>>, vector<512x384xf32>
    %get3A_2 = arith.constant 0 : index
    %get3A_3 = arith.constant 0 : index
    %get3A_4 = vector.load %arg2[%get3A_2, %get3A_3] : memref<384x1024xf32, #tpu.memory_space<vmem>>, vector<384x1024xf32>
    %dot_general3A = arith.constant dense<0.000000e+00> : vector<512x1024xf32>
    %dot_general3A_5 = tpu.matmul %get3A_1, %get3A_4, %dot_general3A {dimension_numbers = #tpu.dot_dimension_numbers<[1], [0], [0], [1], [0, 0, 1, 1], [], []>, transpose_lhs_hint = false} : vector<512x384xf32>, vector<384x1024xf32>, vector<512x1024xf32> -> vector<512x1024xf32>
    %mul3A = arith.mulf %get3A_1, %get3A_1 : vector<512x384xf32>
    %reduce_sum3A = arith.constant dense<0.000000e+00> : vector<512xf32>
    %reduce_sum3A_6 = vector.multi_reduction <add>, %mul3A, %reduce_sum3A [1] : vector<512x384xf32> to vector<512xf32>
    %broadcast_in_dim3A = vector.shape_cast %reduce_sum3A_6 : vector<512xf32> to vector<512x1xf32>
    %mul3A_7 = arith.mulf %get3A_4, %get3A_4 : vector<384x1024xf32>
    %reduce_sum3A_8 = arith.constant dense<0.000000e+00> : vector<1024xf32>
    %reduce_sum3A_9 = vector.multi_reduction <add>, %mul3A_7, %reduce_sum3A_8 [0] : vector<384x1024xf32> to vector<1024xf32>
    %broadcast_in_dim3A_10 = vector.shape_cast %reduce_sum3A_9 : vector<1024xf32> to vector<1x1024xf32>
    %add3A = vector.broadcast %broadcast_in_dim3A : vector<512x1xf32> to vector<512x1024xf32>
    %add3A_11 = vector.broadcast %broadcast_in_dim3A_10 : vector<1x1024xf32> to vector<512x1024xf32>
    %add3A_12 = arith.addf %add3A, %add3A_11 : vector<512x1024xf32>
    %mul3A_13 = arith.constant 2.000000e+00 : f32
    %mul3A_14 = vector.broadcast %mul3A_13 : f32 to vector<512x1024xf32>
    %mul3A_15 = arith.mulf %mul3A_14, %dot_general3A_5 : vector<512x1024xf32>
    %sub3A = arith.subf %add3A_12, %mul3A_15 : vector<512x1024xf32>
    %reduce_min3A = arith.constant dense<0x7F800000> : vector<512xf32>
    %reduce_min3A_16 = vector.multi_reduction <minimumf>, %sub3A, %reduce_min3A [1] : vector<512x1024xf32> to vector<512xf32>
    %broadcast_in_dim3A_17 = vector.shape_cast %reduce_min3A_16 : vector<512xf32> to vector<512x1xf32>
    %iota3A = tpu.iota {dimensions = array<i32: 1>} : vector<512x1024xi32>
    %or3A = arith.constant 1065353216 : i32
    %or3A_18 = vector.broadcast %or3A : i32 to vector<512x1024xi32>
    %or3A_19 = arith.ori %iota3A, %or3A_18 : vector<512x1024xi32>
    %eq3A = vector.broadcast %broadcast_in_dim3A_17 : vector<512x1xf32> to vector<512x1024xf32>
    %eq3A_20 = arith.cmpf oeq, %sub3A, %eq3A : vector<512x1024xf32>
    %jit3A = arith.constant 1065354240 : i32
    %broadcast_in_dim3A_21 = vector.broadcast %jit3A : i32 to vector<512x1024xi32>
    %select_n3A = arith.select %eq3A_20, %or3A_19, %broadcast_in_dim3A_21 : vector<512x1024xi1>, vector<512x1024xi32>
    %bitcast_convert_type3A = tpu.bitcast %select_n3A : vector<512x1024xi32> -> vector<512x1024xf32>
    %reduce_min3A_22 = arith.constant dense<0x7F800000> : vector<512xf32>
    %reduce_min3A_23 = vector.multi_reduction <minimumf>, %bitcast_convert_type3A, %reduce_min3A_22 [1] : vector<512x1024xf32> to vector<512xf32>
    %bitcast_convert_type3A_24 = tpu.bitcast %reduce_min3A_23 : vector<512xf32> -> vector<512xi32>
    %and3A = arith.constant 65535 : i32
    %and3A_25 = vector.broadcast %and3A : i32 to vector<512xi32>
    %and3A_26 = arith.andi %bitcast_convert_type3A_24, %and3A_25 : vector<512xi32>
    %swap3A = arith.constant 0 : index
    %swap3A_27 = arith.constant 0 : index
    %swap3A_28 = arith.constant 0 : index
    %swap3A_29 = vector.load %arg3[%swap3A, %swap3A_27, %swap3A_28] : memref<1x1x512xi32, #tpu.memory_space<vmem>>, vector<1x1x512xi32>
    %swap3A_30 = vector.shape_cast %swap3A_29 : vector<1x1x512xi32> to vector<512xi32>
    %swap3A_31 = vector.shape_cast %and3A_26 : vector<512xi32> to vector<1x1x512xi32>
    tpu.vector_store %arg3[%swap3A, %swap3A_27, %swap3A_28], %swap3A_31 {strides = array<i32>} : memref<1x1x512xi32, #tpu.memory_space<vmem>>, vector<1x1x512xi32>,
    %eq3A_32 = arith.constant 0 : i32
    %eq3A_33 = arith.cmpi eq, %arg0, %eq3A_32 : i32
    %convert_element_type3A = arith.extui %eq3A_33 : i1 to i32
    %cond3A = arith.constant 0 : i32
    %cond3A_34 = arith.cmpi ne, %convert_element_type3A, %cond3A : i32
    scf.if %cond3A_34 {
      %broadcast_in_dim3A_48 = arith.constant 0.000000e+00 : f32
      %broadcast_in_dim3A_49 = vector.broadcast %broadcast_in_dim3A_48 : f32 to vector<1x1xf32>
      %swap3A_50 = arith.constant 0 : index
      %swap3A_51 = arith.constant 0 : index
      %swap3A_52 = vector.load %arg4[%swap3A_50, %swap3A_51] : memref<1x1xf32, #tpu.memory_space<vmem>>, vector<1x1xf32>
      tpu.vector_store %arg4[%swap3A_50, %swap3A_51], %broadcast_in_dim3A_49 {strides = array<i32>} : memref<1x1xf32, #tpu.memory_space<vmem>>, vector<1x1xf32>,
    } else {
    }
    %get3A_35 = arith.constant 0 : index
    %get3A_36 = arith.constant 0 : index
    %get3A_37 = vector.load %arg4[%get3A_35, %get3A_36] : memref<1x1xf32, #tpu.memory_space<vmem>>, vector<1x1xf32>
    %reduce_sum3A_38 = vector.shape_cast %broadcast_in_dim3A_17 : vector<512x1xf32> to vector<1x512x1xf32>
    %reduce_sum3A_39 = arith.constant dense<0.000000e+00> : vector<1xf32>
    %reduce_sum3A_40 = vector.multi_reduction <add>, %reduce_sum3A_38, %reduce_sum3A_39 [1, 2] : vector<1x512x1xf32> to vector<1xf32>
    %reduce_sum3A_41 = vector.shape_cast %reduce_sum3A_40 : vector<1xf32> to vector<1x1x1xf32>
    %reduce_sum3A_42 = vector.extract %reduce_sum3A_41[0, 0, 0] : f32 from vector<1x1x1xf32>
    %broadcast_in_dim3A_43 = vector.broadcast %reduce_sum3A_42 : f32 to vector<1x1xf32>
    %add3A_44 = arith.addf %get3A_37, %broadcast_in_dim3A_43 : vector<1x1xf32>
    %swap3A_45 = arith.constant 0 : index
    %swap3A_46 = arith.constant 0 : index
    %swap3A_47 = vector.load %arg4[%swap3A_45, %swap3A_46] : memref<1x1xf32, #tpu.memory_space<vmem>>, vector<1x1xf32>
    tpu.vector_store %arg4[%swap3A_45, %swap3A_46], %add3A_44 {strides = array<i32>} : memref<1x1xf32, #tpu.memory_space<vmem>>, vector<1x1xf32>,
    return
  }
  func.func @transform_0(%arg0: i32) -> (i32, i32) {
    %add3A = arith.constant 0 : i32
    %add3A_0 = arith.addi %add3A, %arg0 : i32
    %c0_i32 = arith.constant 0 : i32
    %c0_i32_1 = arith.constant 0 : i32
    return %add3A_0, %c0_i32 : i32, i32
  }
  func.func @transform_1(%arg0: i32) -> (i32, i32) {
    %c0_i32 = arith.constant 0 : i32
    %c0_i32_0 = arith.constant 0 : i32
    %c0_i32_1 = arith.constant 0 : i32
    return %c0_i32, %c0_i32_0 : i32, i32
  }
  func.func @transform_2(%arg0: i32) -> (i32, i32, i32) {
    %c0_i32 = arith.constant 0 : i32
    %c0_i32_0 = arith.constant 0 : i32
    %c0_i32_1 = arith.constant 0 : i32
    return %arg0, %c0_i32, %c0_i32_0 : i32, i32, i32
  }
  func.func @transform_3(%arg0: i32) -> (i32, i32) {
    %c0_i32 = arith.constant 0 : i32
    %c0_i32_0 = arith.constant 0 : i32
    %c0_i32_1 = arith.constant 0 : i32
    return %c0_i32, %c0_i32_0 : i32, i32
  }
}

module attributes {stable_mosaic.version = 14 : i64} {
  func.func @_tc_body(%arg0: i32, %arg1: memref<512x384xf32, #tpu.memory_space<vmem>>, %arg2: memref<384x1024xf32, #tpu.memory_space<vmem>>, %arg3: memref<1x1x512xi32, #tpu.memory_space<vmem>>, %arg4: memref<1x1xf32, #tpu.memory_space<vmem>>) attributes {dimension_semantics = [#tpu.dimension_semantics<arbitrary>], iteration_bounds = array<i64: 4>, scalar_prefetch = 0 : i64, scratch_operands = 0 : i64, tpu.core_type = #tpu.core_type<tc>, window_params = [{transform_indices = @transform_0, window_bounds = array<i64: 512, 384>}, {pipeline_mode = #tpu.pipeline_mode<synchronous>, transform_indices = @transform_1, window_bounds = array<i64: 384, 1024>}, {transform_indices = @transform_2, window_bounds = array<i64: 1, 1, 512>}, {pipeline_mode = #tpu.pipeline_mode<synchronous>, transform_indices = @transform_3, window_bounds = array<i64: 1, 1>}]} {
    %get3A = arith.constant 0 : index
    %get3A_0 = arith.constant 0 : index
    %get3A_1 = vector.load %arg1[%get3A, %get3A_0] : memref<512x384xf32, #tpu.memory_space<vmem>>, vector<512x384xf32>
    %get3A_2 = arith.constant 0 : index
    %get3A_3 = arith.constant 0 : index
    %get3A_4 = vector.load %arg2[%get3A_2, %get3A_3] : memref<384x1024xf32, #tpu.memory_space<vmem>>, vector<384x1024xf32>
    %dot_general3A = arith.constant dense<0.000000e+00> : vector<512x1024xf32>
    %dot_general3A_5 = tpu.matmul %get3A_1, %get3A_4, %dot_general3A {dimension_numbers = #tpu.dot_dimension_numbers<[1], [0], [0], [1], [0, 0, 1, 1], [], []>, transpose_lhs_hint = false} : vector<512x384xf32>, vector<384x1024xf32>, vector<512x1024xf32> -> vector<512x1024xf32>
    %mul3A = arith.mulf %get3A_1, %get3A_1 : vector<512x384xf32>
    %reduce_sum3A = arith.constant dense<0.000000e+00> : vector<512xf32>
    %reduce_sum3A_6 = vector.multi_reduction <add>, %mul3A, %reduce_sum3A [1] : vector<512x384xf32> to vector<512xf32>
    %broadcast_in_dim3A = vector.shape_cast %reduce_sum3A_6 : vector<512xf32> to vector<512x1xf32>
    %mul3A_7 = arith.mulf %get3A_4, %get3A_4 : vector<384x1024xf32>
    %reduce_sum3A_8 = arith.constant dense<0.000000e+00> : vector<1024xf32>
    %reduce_sum3A_9 = vector.multi_reduction <add>, %mul3A_7, %reduce_sum3A_8 [0] : vector<384x1024xf32> to vector<1024xf32>
    %broadcast_in_dim3A_10 = vector.shape_cast %reduce_sum3A_9 : vector<1024xf32> to vector<1x1024xf32>
    %add3A = vector.broadcast %broadcast_in_dim3A : vector<512x1xf32> to vector<512x1024xf32>
    %add3A_11 = vector.broadcast %broadcast_in_dim3A_10 : vector<1x1024xf32> to vector<512x1024xf32>
    %add3A_12 = arith.addf %add3A, %add3A_11 : vector<512x1024xf32>
    %mul3A_13 = arith.constant 2.000000e+00 : f32
    %mul3A_14 = vector.broadcast %mul3A_13 : f32 to vector<512x1024xf32>
    %mul3A_15 = arith.mulf %mul3A_14, %dot_general3A_5 : vector<512x1024xf32>
    %sub3A = arith.subf %add3A_12, %mul3A_15 : vector<512x1024xf32>
    %reduce_min3A = arith.constant dense<0x7F800000> : vector<512xf32>
    %reduce_min3A_16 = vector.multi_reduction <minimumf>, %sub3A, %reduce_min3A [1] : vector<512x1024xf32> to vector<512xf32>
    %broadcast_in_dim3A_17 = vector.shape_cast %reduce_min3A_16 : vector<512xf32> to vector<512x1xf32>
    %iota3A = tpu.iota {dimensions = array<i32: 1>} : vector<512x1024xi32>
    %or3A = arith.constant 1065353216 : i32
    %or3A_18 = vector.broadcast %or3A : i32 to vector<512x1024xi32>
    %or3A_19 = arith.ori %iota3A, %or3A_18 : vector<512x1024xi32>
    %eq3A = vector.broadcast %broadcast_in_dim3A_17 : vector<512x1xf32> to vector<512x1024xf32>
    %eq3A_20 = arith.cmpf oeq, %sub3A, %eq3A : vector<512x1024xf32>
    %jit3A = arith.constant 1065354240 : i32
    %broadcast_in_dim3A_21 = vector.broadcast %jit3A : i32 to vector<512x1024xi32>
    %select_n3A = arith.select %eq3A_20, %or3A_19, %broadcast_in_dim3A_21 : vector<512x1024xi1>, vector<512x1024xi32>
    %bitcast_convert_type3A = tpu.bitcast %select_n3A : vector<512x1024xi32> -> vector<512x1024xf32>
    %reduce_min3A_22 = arith.constant dense<0x7F800000> : vector<512xf32>
    %reduce_min3A_23 = vector.multi_reduction <minimumf>, %bitcast_convert_type3A, %reduce_min3A_22 [1] : vector<512x1024xf32> to vector<512xf32>
    %bitcast_convert_type3A_24 = tpu.bitcast %reduce_min3A_23 : vector<512xf32> -> vector<512xi32>
    %and3A = arith.constant 65535 : i32
    %and3A_25 = vector.broadcast %and3A : i32 to vector<512xi32>
    %and3A_26 = arith.andi %bitcast_convert_type3A_24, %and3A_25 : vector<512xi32>
    %swap3A = arith.constant 0 : index
    %swap3A_27 = arith.constant 0 : index
    %swap3A_28 = arith.constant 0 : index
    %swap3A_29 = vector.load %arg3[%swap3A, %swap3A_27, %swap3A_28] : memref<1x1x512xi32, #tpu.memory_space<vmem>>, vector<1x1x512xi32>
    %swap3A_30 = vector.shape_cast %swap3A_29 : vector<1x1x512xi32> to vector<512xi32>
    %swap3A_31 = vector.shape_cast %and3A_26 : vector<512xi32> to vector<1x1x512xi32>
    tpu.vector_store %arg3[%swap3A, %swap3A_27, %swap3A_28], %swap3A_31 {strides = array<i32>} : memref<1x1x512xi32, #tpu.memory_space<vmem>>, vector<1x1x512xi32>,
    %eq3A_32 = arith.constant 0 : i32
    %eq3A_33 = arith.cmpi eq, %arg0, %eq3A_32 : i32
    %convert_element_type3A = arith.extui %eq3A_33 : i1 to i32
    %cond3A = arith.constant 0 : i32
    %cond3A_34 = arith.cmpi ne, %convert_element_type3A, %cond3A : i32
    scf.if %cond3A_34 {
      %broadcast_in_dim3A_48 = arith.constant 0.000000e+00 : f32
      %broadcast_in_dim3A_49 = vector.broadcast %broadcast_in_dim3A_48 : f32 to vector<1x1xf32>
      %swap3A_50 = arith.constant 0 : index
      %swap3A_51 = arith.constant 0 : index
      %swap3A_52 = vector.load %arg4[%swap3A_50, %swap3A_51] : memref<1x1xf32, #tpu.memory_space<vmem>>, vector<1x1xf32>
      tpu.vector_store %arg4[%swap3A_50, %swap3A_51], %broadcast_in_dim3A_49 {strides = array<i32>} : memref<1x1xf32, #tpu.memory_space<vmem>>, vector<1x1xf32>,
    } else {
    }
    %get3A_35 = arith.constant 0 : index
    %get3A_36 = arith.constant 0 : index
    %get3A_37 = vector.load %arg4[%get3A_35, %get3A_36] : memref<1x1xf32, #tpu.memory_space<vmem>>, vector<1x1xf32>
    %reduce_sum3A_38 = vector.shape_cast %broadcast_in_dim3A_17 : vector<512x1xf32> to vector<1x512x1xf32>
    %reduce_sum3A_39 = arith.constant dense<0.000000e+00> : vector<1xf32>
    %reduce_sum3A_40 = vector.multi_reduction <add>, %reduce_sum3A_38, %reduce_sum3A_39 [1, 2] : vector<1x512x1xf32> to vector<1xf32>
    %reduce_sum3A_41 = vector.shape_cast %reduce_sum3A_40 : vector<1xf32> to vector<1x1x1xf32>
    %reduce_sum3A_42 = vector.extract %reduce_sum3A_41[0, 0, 0] : f32 from vector<1x1x1xf32>
    %broadcast_in_dim3A_43 = vector.broadcast %reduce_sum3A_42 : f32 to vector<1x1xf32>
    %add3A_44 = arith.addf %get3A_37, %broadcast_in_dim3A_43 : vector<1x1xf32>
    %swap3A_45 = arith.constant 0 : index
    %swap3A_46 = arith.constant 0 : index
    %swap3A_47 = vector.load %arg4[%swap3A_45, %swap3A_46] : memref<1x1xf32, #tpu.memory_space<vmem>>, vector<1x1xf32>
    tpu.vector_store %arg4[%swap3A_45, %swap3A_46], %add3A_44 {strides = array<i32>} : memref<1x1xf32, #tpu.memory_space<vmem>>, vector<1x1xf32>,
    return
  }
  func.func @transform_0(%arg0: i32) -> (i32, i32) {
    %add3A = arith.constant 8 : i32
    %add3A_0 = arith.addi %add3A, %arg0 : i32
    %c0_i32 = arith.constant 0 : i32
    %c0_i32_1 = arith.constant 0 : i32
    return %add3A_0, %c0_i32 : i32, i32
  }
  func.func @transform_1(%arg0: i32) -> (i32, i32) {
    %c0_i32 = arith.constant 0 : i32
    %c0_i32_0 = arith.constant 0 : i32
    %c0_i32_1 = arith.constant 0 : i32
    return %c0_i32, %c0_i32_0 : i32, i32
  }
  func.func @transform_2(%arg0: i32) -> (i32, i32, i32) {
    %c0_i32 = arith.constant 0 : i32
    %c0_i32_0 = arith.constant 0 : i32
    %c0_i32_1 = arith.constant 0 : i32
    return %arg0, %c0_i32, %c0_i32_0 : i32, i32, i32
  }
  func.func @transform_3(%arg0: i32) -> (i32, i32) {
    %c0_i32 = arith.constant 0 : i32
    %c0_i32_0 = arith.constant 0 : i32
    %c0_i32_1 = arith.constant 0 : i32
    return %c0_i32, %c0_i32_0 : i32, i32
  }
}

module attributes {stable_mosaic.version = 14 : i64} {
  func.func @_tc_body(%arg0: i32, %arg1: memref<512x384xf32, #tpu.memory_space<vmem>>, %arg2: memref<384x1024xf32, #tpu.memory_space<vmem>>, %arg3: memref<1x1x512xi32, #tpu.memory_space<vmem>>, %arg4: memref<1x1xf32, #tpu.memory_space<vmem>>) attributes {dimension_semantics = [#tpu.dimension_semantics<arbitrary>], iteration_bounds = array<i64: 4>, scalar_prefetch = 0 : i64, scratch_operands = 0 : i64, tpu.core_type = #tpu.core_type<tc>, window_params = [{transform_indices = @transform_0, window_bounds = array<i64: 512, 384>}, {pipeline_mode = #tpu.pipeline_mode<synchronous>, transform_indices = @transform_1, window_bounds = array<i64: 384, 1024>}, {transform_indices = @transform_2, window_bounds = array<i64: 1, 1, 512>}, {pipeline_mode = #tpu.pipeline_mode<synchronous>, transform_indices = @transform_3, window_bounds = array<i64: 1, 1>}]} {
    %get3A = arith.constant 0 : index
    %get3A_0 = arith.constant 0 : index
    %get3A_1 = vector.load %arg1[%get3A, %get3A_0] : memref<512x384xf32, #tpu.memory_space<vmem>>, vector<512x384xf32>
    %get3A_2 = arith.constant 0 : index
    %get3A_3 = arith.constant 0 : index
    %get3A_4 = vector.load %arg2[%get3A_2, %get3A_3] : memref<384x1024xf32, #tpu.memory_space<vmem>>, vector<384x1024xf32>
    %dot_general3A = arith.constant dense<0.000000e+00> : vector<512x1024xf32>
    %dot_general3A_5 = tpu.matmul %get3A_1, %get3A_4, %dot_general3A {dimension_numbers = #tpu.dot_dimension_numbers<[1], [0], [0], [1], [0, 0, 1, 1], [], []>, transpose_lhs_hint = false} : vector<512x384xf32>, vector<384x1024xf32>, vector<512x1024xf32> -> vector<512x1024xf32>
    %mul3A = arith.mulf %get3A_1, %get3A_1 : vector<512x384xf32>
    %reduce_sum3A = arith.constant dense<0.000000e+00> : vector<512xf32>
    %reduce_sum3A_6 = vector.multi_reduction <add>, %mul3A, %reduce_sum3A [1] : vector<512x384xf32> to vector<512xf32>
    %broadcast_in_dim3A = vector.shape_cast %reduce_sum3A_6 : vector<512xf32> to vector<512x1xf32>
    %mul3A_7 = arith.mulf %get3A_4, %get3A_4 : vector<384x1024xf32>
    %reduce_sum3A_8 = arith.constant dense<0.000000e+00> : vector<1024xf32>
    %reduce_sum3A_9 = vector.multi_reduction <add>, %mul3A_7, %reduce_sum3A_8 [0] : vector<384x1024xf32> to vector<1024xf32>
    %broadcast_in_dim3A_10 = vector.shape_cast %reduce_sum3A_9 : vector<1024xf32> to vector<1x1024xf32>
    %add3A = vector.broadcast %broadcast_in_dim3A : vector<512x1xf32> to vector<512x1024xf32>
    %add3A_11 = vector.broadcast %broadcast_in_dim3A_10 : vector<1x1024xf32> to vector<512x1024xf32>
    %add3A_12 = arith.addf %add3A, %add3A_11 : vector<512x1024xf32>
    %mul3A_13 = arith.constant 2.000000e+00 : f32
    %mul3A_14 = vector.broadcast %mul3A_13 : f32 to vector<512x1024xf32>
    %mul3A_15 = arith.mulf %mul3A_14, %dot_general3A_5 : vector<512x1024xf32>
    %sub3A = arith.subf %add3A_12, %mul3A_15 : vector<512x1024xf32>
    %reduce_min3A = arith.constant dense<0x7F800000> : vector<512xf32>
    %reduce_min3A_16 = vector.multi_reduction <minimumf>, %sub3A, %reduce_min3A [1] : vector<512x1024xf32> to vector<512xf32>
    %broadcast_in_dim3A_17 = vector.shape_cast %reduce_min3A_16 : vector<512xf32> to vector<512x1xf32>
    %iota3A = tpu.iota {dimensions = array<i32: 1>} : vector<512x1024xi32>
    %or3A = arith.constant 1065353216 : i32
    %or3A_18 = vector.broadcast %or3A : i32 to vector<512x1024xi32>
    %or3A_19 = arith.ori %iota3A, %or3A_18 : vector<512x1024xi32>
    %eq3A = vector.broadcast %broadcast_in_dim3A_17 : vector<512x1xf32> to vector<512x1024xf32>
    %eq3A_20 = arith.cmpf oeq, %sub3A, %eq3A : vector<512x1024xf32>
    %jit3A = arith.constant 1065354240 : i32
    %broadcast_in_dim3A_21 = vector.broadcast %jit3A : i32 to vector<512x1024xi32>
    %select_n3A = arith.select %eq3A_20, %or3A_19, %broadcast_in_dim3A_21 : vector<512x1024xi1>, vector<512x1024xi32>
    %bitcast_convert_type3A = tpu.bitcast %select_n3A : vector<512x1024xi32> -> vector<512x1024xf32>
    %reduce_min3A_22 = arith.constant dense<0x7F800000> : vector<512xf32>
    %reduce_min3A_23 = vector.multi_reduction <minimumf>, %bitcast_convert_type3A, %reduce_min3A_22 [1] : vector<512x1024xf32> to vector<512xf32>
    %bitcast_convert_type3A_24 = tpu.bitcast %reduce_min3A_23 : vector<512xf32> -> vector<512xi32>
    %and3A = arith.constant 65535 : i32
    %and3A_25 = vector.broadcast %and3A : i32 to vector<512xi32>
    %and3A_26 = arith.andi %bitcast_convert_type3A_24, %and3A_25 : vector<512xi32>
    %swap3A = arith.constant 0 : index
    %swap3A_27 = arith.constant 0 : index
    %swap3A_28 = arith.constant 0 : index
    %swap3A_29 = vector.load %arg3[%swap3A, %swap3A_27, %swap3A_28] : memref<1x1x512xi32, #tpu.memory_space<vmem>>, vector<1x1x512xi32>
    %swap3A_30 = vector.shape_cast %swap3A_29 : vector<1x1x512xi32> to vector<512xi32>
    %swap3A_31 = vector.shape_cast %and3A_26 : vector<512xi32> to vector<1x1x512xi32>
    tpu.vector_store %arg3[%swap3A, %swap3A_27, %swap3A_28], %swap3A_31 {strides = array<i32>} : memref<1x1x512xi32, #tpu.memory_space<vmem>>, vector<1x1x512xi32>,
    %eq3A_32 = arith.constant 0 : i32
    %eq3A_33 = arith.cmpi eq, %arg0, %eq3A_32 : i32
    %convert_element_type3A = arith.extui %eq3A_33 : i1 to i32
    %cond3A = arith.constant 0 : i32
    %cond3A_34 = arith.cmpi ne, %convert_element_type3A, %cond3A : i32
    scf.if %cond3A_34 {
      %broadcast_in_dim3A_48 = arith.constant 0.000000e+00 : f32
      %broadcast_in_dim3A_49 = vector.broadcast %broadcast_in_dim3A_48 : f32 to vector<1x1xf32>
      %swap3A_50 = arith.constant 0 : index
      %swap3A_51 = arith.constant 0 : index
      %swap3A_52 = vector.load %arg4[%swap3A_50, %swap3A_51] : memref<1x1xf32, #tpu.memory_space<vmem>>, vector<1x1xf32>
      tpu.vector_store %arg4[%swap3A_50, %swap3A_51], %broadcast_in_dim3A_49 {strides = array<i32>} : memref<1x1xf32, #tpu.memory_space<vmem>>, vector<1x1xf32>,
    } else {
    }
    %get3A_35 = arith.constant 0 : index
    %get3A_36 = arith.constant 0 : index
    %get3A_37 = vector.load %arg4[%get3A_35, %get3A_36] : memref<1x1xf32, #tpu.memory_space<vmem>>, vector<1x1xf32>
    %reduce_sum3A_38 = vector.shape_cast %broadcast_in_dim3A_17 : vector<512x1xf32> to vector<1x512x1xf32>
    %reduce_sum3A_39 = arith.constant dense<0.000000e+00> : vector<1xf32>
    %reduce_sum3A_40 = vector.multi_reduction <add>, %reduce_sum3A_38, %reduce_sum3A_39 [1, 2] : vector<1x512x1xf32> to vector<1xf32>
    %reduce_sum3A_41 = vector.shape_cast %reduce_sum3A_40 : vector<1xf32> to vector<1x1x1xf32>
    %reduce_sum3A_42 = vector.extract %reduce_sum3A_41[0, 0, 0] : f32 from vector<1x1x1xf32>
    %broadcast_in_dim3A_43 = vector.broadcast %reduce_sum3A_42 : f32 to vector<1x1xf32>
    %add3A_44 = arith.addf %get3A_37, %broadcast_in_dim3A_43 : vector<1x1xf32>
    %swap3A_45 = arith.constant 0 : index
    %swap3A_46 = arith.constant 0 : index
    %swap3A_47 = vector.load %arg4[%swap3A_45, %swap3A_46] : memref<1x1xf32, #tpu.memory_space<vmem>>, vector<1x1xf32>
    tpu.vector_store %arg4[%swap3A_45, %swap3A_46], %add3A_44 {strides = array<i32>} : memref<1x1xf32, #tpu.memory_space<vmem>>, vector<1x1xf32>,
    return
  }
  func.func @transform_0(%arg0: i32) -> (i32, i32) {
    %add3A = arith.constant 12 : i32
    %add3A_0 = arith.addi %add3A, %arg0 : i32
    %c0_i32 = arith.constant 0 : i32
    %c0_i32_1 = arith.constant 0 : i32
    return %add3A_0, %c0_i32 : i32, i32
  }
  func.func @transform_1(%arg0: i32) -> (i32, i32) {
    %c0_i32 = arith.constant 0 : i32
    %c0_i32_0 = arith.constant 0 : i32
    %c0_i32_1 = arith.constant 0 : i32
    return %c0_i32, %c0_i32_0 : i32, i32
  }
  func.func @transform_2(%arg0: i32) -> (i32, i32, i32) {
    %c0_i32 = arith.constant 0 : i32
    %c0_i32_0 = arith.constant 0 : i32
    %c0_i32_1 = arith.constant 0 : i32
    return %arg0, %c0_i32, %c0_i32_0 : i32, i32, i32
  }
  func.func @transform_3(%arg0: i32) -> (i32, i32) {
    %c0_i32 = arith.constant 0 : i32
    %c0_i32_0 = arith.constant 0 : i32
    %c0_i32_1 = arith.constant 0 : i32
    return %c0_i32, %c0_i32_0 : i32, i32
  }
}

</mosaic_0001>

<sc_bundles>
// kernel: kernel.10.cloned.1.call-start
scs
__scs_entry_jumppad:
0x0: {  	(pc) =	sbr.rel $0x88, $3  }
0x1: {  	(tag) =	ssettag $0x0;
	lr =	simm.s32 $0x1  }
0x2: {  	[smem:$0x3F9F] =	sst lr;
	_ =	strace $0xD0000000  }
0x3: {  	_ = 	snop  }
0x4: {  	_ = 	snop  }
0x5: {  	_ = 	snop  }
0x6: {  	_ = 	snop  }
0x7: {  	_ = 	snop  }
__scs_overlays_trampoline_lowered:
0x8: {  	[smem:$0x3FAE] =	sst s0  }
0x9: {  	[smem:$0x3FAF] =	sst s1  }
0xa: {  	[smem:$0x3FB0] =	sst s2  }
0xb: {  	[smem:$0x3FB1] =	sst s3  }
0xc: {  	[smem:$0x3FB2] =	sst s4  }
0xd: {  	[smem:$0x3FB3] =	sst s5  }
0xe: {  	[smem:$0x3FB4] =	sst s6  }
0xf: {  	[smem:$0x3FB5] =	sst s7  }
0x10: {  	[smem:$0x3FB6] =	sst s8  }
0x11: {  	[smem:$0x3FB7] =	sst s9;
	s0 =	simm.s32 @!p0 $0x0  }
0x12: {  	s1 =	sld [smem:$0x3F9D];
	s0 =	simm.s32 @p0 $0x1  }
0x13: {  	[smem:$0x3FB8] =	sst s0;
	s0 =	simm.s32 @!p1 $0x0  }
0x14: {  	s2 =	sld [smem:$0x3F9C];
	s0 =	simm.s32 @p1 $0x1  }
0x15: {  	[smem:$0x3FB9] =	sst s0;
	s0 =	simm.s32 @!p2 $0x0  }
0x16: {  	s3 =	sld [smem:$0x3FDB];
	s0 =	simm.s32 @p2 $0x1  }
0x17: {  	s4 =	simm.s32 $0x1BF5;
	[smem:$0x3FBB] =	sst s0  }
0x18: {  	s0 =	sld [smem:$0x3F9E];
	_ =	swait.ge [sflag:s4], $0x0  }
0x19: {  	s7 =	sld [smem:$0x3F9F]  }
0x1a: {  	s8 =	sadd.s32 $0xFFFFE003, lr  }
0x1b: {  	s9 =	sadd.s32 $0xFFFFFEF7, lr;
	s5 =	simm.s32 $0xFFFFFFFF;
	p2 =	slt.u32 s8, $0xFFFFF086  }
0x1c: {  	p1 =	slt.u32 s9, $0xF7A;
	s5 =	simm.s32 @!p2 $0x0  }
0x1d: {  	s5 =	simm.s32 @p1 $0x1;
	p0 =	seq.s32 s7, s2  }
0x1e: {  	s7 =	smul.u32 @!p0 $0xF7A, s2;
	p2 =	seq.s32 @!p0 s5, $0x0  }
0x1f: {  	s9 =	smul.u32 $0xF7A, s1;
	s8 =	simm.s32 @!p0 $0x1BF5;
	p2 =	por !p2, p0  }
0x20: {  	[sflag:s8] =	ssyncset.s32 @!p0 $0xFFFFF086;
	s6 =	sadd.s32 @!p0 s3, s7;
	s7 =	simm.s32 @!p0 $0x108  }
0x21: {  	s3 =	sadd.s32 s3, s9;
	s6 =	sadd.s32 @!p0 $0x88, s6;
	s7 =	simm.s32 @p2 $0x1082  }
0x22: {  	[simem:s7], [sflag:s8] =	dma.local @!p0 [hbm:s6], $0xF7A  }
0x23: {  	s9 =	sor.u32 $0xD0000000, s2;
	s6 =	simm.s32 $0x108;
	_ =	swait.ge @!p0 [sflag:s8], $0x0  }
0x24: {  	s3 =	sadd.s32 $0x88, s3;
	s6 =	simm.s32 @!p1 $0x1082;
	[sflag:s4] =	ssyncset.s32 $0xFFFFF086  }
0x25: {  	[simem:s6], [sflag:s4] =	dma.local [hbm:s3], $0xF7A  }
0x26: {  	[smem:$0x3F9F] =	sst s1;
	(tag) =	ssettag s2;
	_ =	strace s9  }
0x27: {  	s1 =	sld [smem:$0x3FAF]  }
0x28: {  	s2 =	sld [smem:$0x3FB0]  }
0x29: {  	s4 =	sld [smem:$0x3FB2]  }
0x2a: {  	p0 =	seq.s32 s5, $0x0;
	s5 =	sld [smem:$0x3FB3]  }
0x2b: {  	s6 =	sld [smem:$0x3FB4]  }
0x2c: {  	s7 =	sld [smem:$0x3FB5]  }
0x2d: {  	s3 =	simm.s32 $0x108;
	s8 =	sld [smem:$0x3FB6]  }
0x2e: {  	s3 =	simm.s32 @!p0 $0x1082;
	s9 =	sld [smem:$0x3FB7]  }
0x2f: {  	lr =	sadd.s32 s0, s3;
	s0 =	sld [smem:$0x3FAE]  }
0x30: {  	s3 =	sld [smem:$0x3FB1]  }
0x31: {  	[smem:$0x3FBA] =	sst s10  }
0x32: {  	s10 =	sld [smem:$0x3FB8];
	_ =	sdelay $0x3  }
0x33: {  	p0 =	seq.s32 s10, $0x1;
	s10 =	sld [smem:$0x3FBA];
	_ =	sdelay $0x3  }
0x34: {  	[smem:$0x3FBA] =	sst s10  }
0x35: {  	s10 =	sld [smem:$0x3FB9];
	_ =	sdelay $0x3  }
0x36: {  	p1 =	seq.s32 s10, $0x1;
	s10 =	sld [smem:$0x3FBA];
	_ =	sdelay $0x3  }
0x37: {  	[smem:$0x3FBA] =	sst s10  }
0x38: {  	s10 =	sld [smem:$0x3FBB]  }
0x39: {  	_ = 	snop;
	(pc) =	sbr.ind lr, $3  }
0x3a: {  	_ = 	snop  }
0x3b: {  	_ = 	snop  }
0x3c: {  	p2 =	seq.s32 s10, $0x1;
	s10 =	sld [smem:$0x3FBA]  }
0x3d: {  	_ =	shalt  }
0x3e: {  	_ =	shalt  }
0x3f: {  	_ =	shalt  }
0x40: {  	_ =	shalt  }
0x41: {  	_ =	shalt  }
0x42: {  	_ =	shalt  }
0x43: {  	_ =	shalt  }
0x44: {  	_ =	shalt  }
0x45: {  	_ =	shalt  }
0x46: {  	_ =	shalt  }
0x47: {  	_ =	shalt  }
0x48: {  	_ =	shalt  }
0x49: {  	_ =	shalt  }
0x4a: {  	_ =	shalt  }
0x4b: {  	_ =	shalt  }
0x4c: {  	_ =	shalt  }
0x4d: {  	_ =	shalt  }
0x4e: {  	_ =	shalt  }
0x4f: {  	_ =	shalt  }
0x50: {  	_ =	shalt  }
0x51: {  	_ =	shalt  }
0x52: {  	_ =	shalt  }
0x53: {  	_ =	shalt  }
0x54: {  	_ =	shalt  }
0x55: {  	_ =	shalt  }
0x56: {  	_ =	shalt  }
0x57: {  	_ =	shalt  }
0x58: {  	_ =	shalt  }
0x59: {  	_ =	shalt  }
0x5a: {  	_ =	shalt  }
0x5b: {  	_ =	shalt  }
0x5c: {  	_ =	shalt  }
0x5d: {  	_ =	shalt  }
0x5e: {  	_ =	shalt  }
0x5f: {  	_ =	shalt  }
0x60: {  	_ =	shalt  }
0x61: {  	_ =	shalt  }
0x62: {  	_ =	shalt  }
0x63: {  	_ =	shalt  }
0x64: {  	_ =	shalt  }
0x65: {  	_ =	shalt  }
0x66: {  	_ =	shalt  }
0x67: {  	_ =	shalt  }
0x68: {  	_ =	shalt  }
0x69: {  	_ =	shalt  }
0x6a: {  	_ =	shalt  }
0x6b: {  	_ =	shalt  }
0x6c: {  	_ =	shalt  }
0x6d: {  	_ =	shalt  }
0x6e: {  	_ =	shalt  }
0x6f: {  	_ =	shalt  }
0x70: {  	_ =	shalt  }
0x71: {  	_ =	shalt  }
0x72: {  	_ =	shalt  }
0x73: {  	_ =	shalt  }
0x74: {  	_ =	shalt  }
0x75: {  	_ =	shalt  }
0x76: {  	_ =	shalt  }
0x77: {  	_ =	shalt  }
0x78: {  	_ =	shalt  }
0x79: {  	_ =	shalt  }
0x7a: {  	_ =	shalt  }
0x7b: {  	_ =	shalt  }
0x7c: {  	_ =	shalt  }
0x7d: {  	_ =	shalt  }
0x7e: {  	_ =	shalt  }
0x7f: {  	_ =	shalt  }
0x80: {  	_ =	shalt  }
0x81: {  	_ =	shalt  }
0x82: {  	_ =	shalt  }
0x83: {  	_ =	shalt  }
0x84: {  	_ =	shalt  }
0x85: {  	_ =	shalt  }
0x86: {  	_ =	shalt  }
0x87: {  	_ =	shalt  }
.Lfunc_end0:
.L_simem_size_0:
called_computation_lowered:
.L_overlay_start_0:
0x88: {  	s2 =	sld [smem:$0x3FD9]  }
0x89: {  	s3 =	sld [smem:$0x3FFE];
	_ =	sdelay $0x1  }
0x8a: {  	s1 =	srdreg.scid  }
0x8b: {  	s0 =	sand.u32 $0x1, s1  }
0x8c: {  	s14 =	sshll.u32 s0, $0xA;
	s2 =	sadd.s32 s3, s2  }
0x8d: {  	s2 =	sadd.s32 s2, s14  }
0x8e: {  	[smem:$0x3FC6] =	sst s2  }
0x8f: {  	_ = 	snop  }
0x90: {  	s2 =	sld [smem:$0x3FD0];
	_ =	sdelay $0x2  }
0x91: {  	s4 =	simm.s32 $0xA;
	s5 =	simm.s32 $0x10;
	s15 =	sld [smem:$0x3FC8]  }
0x92: {  	[smem:s5], [sflag:s4] =	dma.local [hbm:s2], $0x1  }
0x93: {  	_ =	swait.eq [sflag:s4], $0x1  }
0x94: {  	[sflag:s4] =	ssyncset.done $0x0  }
0x95: {  	[sflag:s4] =	ssyncadd.s32 $0xFFFFFFFF  }
0x96: {  	s16 =	sld [smem:$0x10];
	(tm) =	ssettm $0x1  }
0x97: {  	s17 =	sld [smem:$0x3FFB];
	_ =	sdelay $0x3  }
0x98: {  	_ =	strace s17  }
0x99: {  	s4 =	sld [smem:$0x3FFC];
	_ =	sdelay $0x3  }
0x9a: {  	_ =	strace s4  }
0x9b: {  	s4 =	sld [smem:$0x3FFD];
	_ =	sdelay $0x3  }
0x9c: {  	_ =	strace s4  }
0x9d: {  	_ =	strace $0x8FFFFFFF  }
0x9e: {  	s18 =	sld [smem:$0x3FDB];
	_ =	sdelay $0x1  }
0x9f: {  	s19 =	simm.s32 $_scs_section_size  }
0xa0: {  	s6 =	simm.s32 $_size__tile_overlayer_lowered;
	s7 =	simm.s32 $_tile_overlayer_lowered  }
0xa1: {  	s22 =	simm.s32 $0x1BFF;
	s21 =	sshll.u32 s7, $0x1;
	s4 =	sadd.s32 s19, s18  }
0xa2: {  	s8 =	simm.s32 $0x0;
	s20 =	sshll.u32 s6, $0x1;
	s6 =	sadd.s32 s21, s4  }
0xa3: {  	[timem:s8], [sflag:s22] =	dma.local [hbm:s6], s20  }
0xa4: {  	_ =	swait.ge [sflag:s22], s20  }
0xa5: {  	s5 =	ssub.s32 $0x0, s20;
	[sflag:s22] =	ssyncset.done $0x0  }
0xa6: {  	[sflag:s22] =	ssyncadd.s32 s5;
	_ =	sdelay $0x1  }
0xa7: {  	s23 =	simm.s32 $0x1B8B  }
0xa8: {  	_ =	swait.ge [sflag:s23], $0x1  }
0xa9: {  	[sflag:s23] =	ssyncset.done $0x0  }
0xaa: {  	s25 =	simm.s32 $0x1B8E;
	s24 =	sld [smem:$0x3FFE];
	[sflag:s23] =	ssyncadd.s32 $0xFFFFFFFF  }
0xab: {  	s26 =	simm.s32 $execute0_lowered;
	[smem:$0x3FD2] =	sst s25  }
0xac: {  	s6 =	sshll.u32 s26, $0x1;
	_ =	strace $0x80000046;
	[dreg:$0x1] =	wrdreg $0xFFFFFFFF  }
0xad: {  	s28 =	simm.s32 $_size_execute0_lowered;
	s4 =	sadd.s32 s4, s6;
	[dreg:$0x0] =	wrdreg $0x0  }
0xae: {  	s6 =	sshll.u32 s28, $0x1;
	[dreg:$0x2] =	wrdreg s4  }
0xaf: {  	[dreg:$0x3] =	wrdreg s6  }
0xb0: {  	[dreg:$0x4] =	wrdreg $0xC0  }
0xb1: {  	_ =	task [dreg:s8], $0x5FFFF  }
0xb2: {  	[dreg:$0x1] =	wrdreg $0xFFFFFFFF  }
0xb3: {  	[dreg:$0x0] =	wrdreg $0x60  }
0xb4: {  	[dreg:$0x2] =	wrdreg s24  }
0xb5: {  	[dreg:$0x3] =	wrdreg s15  }
0xb6: {  	[dreg:$0x4] =	wrdreg s16  }
0xb7: {  	[dreg:$0x5] =	wrdreg $0x9  }
0xb8: {  	_ =	task.clear_ibuf [dreg:s8], $0x6FFFF;
	_ =	strace $0x90000046  }
0xb9: {  	s29 =	simm.s32 $0x9;
	_ =	strace $0x80000048  }
0xba: {  	_ =	swait.ge [sflag:s29], $0x1  }
0xbb: {  	[sflag:s29] =	ssyncadd.s32 $0xFFFFFFFF  }
0xbc: {  	_ =	strace $0x90000048  }
0xbd: {  	_ =	sfence  }
0xbe: {  	s30 =	sld [smem:$0x0];
	_ =	sdelay $0x2  }
0xbf: {  	s31 =	sshll.u32 s1, $0xD;
	s1 =	sshrl.u32 s1, $0x2  }
0xc0: {  	s3 =	sand.u32 $0x4000, s31;
	s1 =	sadd.s32 s1, s30  }
0xc1: {  	s0 =	sor.u32 s3, s0;
	s1 =	sshll.u32 s1, $0x11  }
0xc2: {  	s0 =	sor.u32 s1, s0  }
0xc3: {  	s0 =	sadd.s32 $0x8F2B, s0  }
0xc4: {  	[sflag:s0] =	ssyncadd.remote.s32 $0x1  }
0xc5: {  	_ =	sfence.sel $0xFFFF  }
0xc6: {  	[dreg:$0x0] =	wrdreg $0xFFFFFFFF;
	(pc) =	sbr.abs _section_cstart, $3  }
0xc7: {  	[dreg:$0x1] =	wrdreg $0xFFFFFFFF  }
0xc8: {  	_ =	task.clear_ibuf [dreg:s8], $0x2FFFF;
	_ =	strace $0x9FFFFFFF  }
0xc9: {  	(tm) =	ssettm $0x7FFFFFFF  }
tec
execute0_lowered:
.L_overlay_start_1:
0x0: {  	(tag) =	ssettag $0x1  }
0x1: {  	s4 =	rddreg [dreg:$0x0]  }
0x2: {  	s2 =	rddreg [dreg:$0x1]  }
0x3: {  	s6 =	rddreg [dreg:$0x2];
	s3 =	srdreg.scid  }
0x4: {  	s0 =	rddreg [dreg:$0x3];
	s1 =	stileid.u32;
	s9 =	simm.s32 $0x80  }
0x5: {  	s10 =	simm.s32 $0x880;
	s11 =	simm.s32 $0xC80;
	s12 =	simm.s32 $0x1480  }
0x6: {  	s13 =	simm.s32 $0x1880;
	s14 =	simm.s32 $0x2080;
	s15 =	simm.s32 $0x2480  }
0x7: {  	s16 =	simm.s32 $0x2C80;
	s17 =	simm.s32 $0x3080;
	s18 =	simm.s32 $0x3880  }
0x8: {  	s19 =	simm.s32 $0x3C80;
	s20 =	simm.s32 $0x4480;
	s21 =	simm.s32 $0x4880  }
0x9: {  	s22 =	simm.s32 $0x5080;
	s23 =	simm.s32 $0x5480;
	s24 =	simm.s32 $0x5C80  }
0xa: {  	s25 =	simm.s32 $0x1;
	s5 =	sand.u32 $0x1, s3;
	s3 =	simm.s32 $0x0  }
0xb: {  	s7 =	sshll.u32 s1, $0x4;
	s8 =	sshll.u32 s5, $0x3;
	s5 =	ssub.s32 $0x2, s5  }
0xc: {  	[smem:$0x7FF] =	sst s3;
	s7 =	sor.u32 s8, s7;
	s31 =	sshrl.u32 s5, $0x1  }
0xd: {  	v2 =	vlaneseq.u32;
	_ =	strace $0x80000047;
	s4 =	sadd.s32 s7, s4;
	s7 =	smul.u32 $0x180, s7  }
0xe: {  	vm0 =	vmmov $0xffff;
	vm1 =	vmmov $0xff;
	v1 =	vshrl.u32 v2, $0x3;
	s8 =	ssub.s32 s5, s31;
	s5 =	sadd.s32 $0x100, s2;
	s4 =	sadd.s32 $0x1600, s4  }
0xf: {  	v0 =	vand.u32 $0x7, v2;
	v2 =	vor.u32 $0x8, v2;
	v1 =	vmul.u32 $0x8, v1;
	s6 =	sadd.s32 s6, s7;
	s7 =	smax.u32 s8, $0x1;
	s8 =	simm.s32 $0x2  }
.LBB2_1:
0x10: {  	[tilespmem:s3], [sflag:$0x2] =	stream.linear.gather [hbm4b:s4+s3], $0x40, $0x38;
	[tilespmem:$0x6080] =	vst v63  }
0x11: {  	_ =	swait.ge [sflag:s8], $0x40  }
0x12: {  	[sflag:s8] =	ssyncset.done $0x0  }
0x13: {  	[sflag:s8] =	ssyncadd.s32 $0xFFFFFFC0  }
0x14: {  	v3 =	vld [tilespmem:$0x0];
	_ =	sdelay $0x4  }
0x15: {  	v4 =	vshrl.u32 v3, $0x3  }
0x16: {  	v4 =	vmul.u32 $0x18, v4  }
0x17: {  	v3 =	vand.u32 $0x7, v3  }
0x18: {  	v3 =	vor.u32 v3, v4  }
0x19: {  	v4 =	vperm.xlane v3, v0;
	_ =	sdelay $0x1  }
0x1a: {  	v4 =	vadd.s32 v1, v4;
	_ =	sdelay $0x1  }
0x1b: {  	v3 =	vperm.xlane v3, v2;
	_ =	sdelay $0x1  }
0x1c: {  	v3 =	vadd.s32 v1, v3  }
0x1d: {  	[tilespmem:s9], [sflag:$0x1] =	stream.indirect_vreg.gather [hbm4b:s2+s3], $0x80, v4, vm0, $0xb8;
	[tilespmem:$0x6080] =	vst v63  }
0x1e: {  	_ = 	snop  }
0x1f: {  	[tilespmem:s10], [sflag:$0x1] =	stream.indirect_vreg.gather [hbm4b:s5+s3], $0x80, v4, vm1, $0xb8;
	[tilespmem:$0x6080] =	vst v63  }
0x20: {  	_ = 	snop  }
0x21: {  	[tilespmem:s11], [sflag:$0x1] =	stream.indirect_vreg.gather [hbm4b:s2+s3], $0x80, v3, vm0, $0xb8;
	[tilespmem:$0x6080] =	vst v63  }
0x22: {  	_ = 	snop  }
0x23: {  	[tilespmem:s12], [sflag:$0x1] =	stream.indirect_vreg.gather [hbm4b:s5+s3], $0x80, v3, vm1, $0xb8;
	[tilespmem:$0x6080] =	vst v63  }
0x24: {  	v3 =	vld [tilespmem:$0x10];
	_ =	sdelay $0x4  }
0x25: {  	v61 =	vshrl.u32 v3, $0x3  }
0x26: {  	v4 =	vmul.u32 $0x18, v61  }
0x27: {  	v3 =	vand.u32 $0x7, v3  }
0x28: {  	v3 =	vor.u32 v3, v4  }
0x29: {  	v4 =	vperm.xlane v3, v0;
	_ =	sdelay $0x1  }
0x2a: {  	v4 =	vadd.s32 v1, v4;
	_ =	sdelay $0x1  }
0x2b: {  	v3 =	vperm.xlane v3, v2;
	_ =	sdelay $0x1  }
0x2c: {  	v3 =	vadd.s32 v1, v3  }
0x2d: {  	[tilespmem:s13], [sflag:$0x1] =	stream.indirect_vreg.gather [hbm4b:s2+s3], $0x80, v4, vm0, $0xb8;
	[tilespmem:$0x6080] =	vst v63  }
0x2e: {  	_ = 	snop  }
0x2f: {  	[tilespmem:s14], [sflag:$0x1] =	stream.indirect_vreg.gather [hbm4b:s5+s3], $0x80, v4, vm1, $0xb8;
	[tilespmem:$0x6080] =	vst v63  }
0x30: {  	_ = 	snop  }
0x31: {  	[tilespmem:s15], [sflag:$0x1] =	stream.indirect_vreg.gather [hbm4b:s2+s3], $0x80, v3, vm0, $0xb8;
	[tilespmem:$0x6080] =	vst v63  }
0x32: {  	_ = 	snop  }
0x33: {  	[tilespmem:s16], [sflag:$0x1] =	stream.indirect_vreg.gather [hbm4b:s5+s3], $0x80, v3, vm1, $0xb8;
	[tilespmem:$0x6080] =	vst v63  }
0x34: {  	v3 =	vld [tilespmem:$0x20];
	_ =	sdelay $0x4  }
0x35: {  	v62 =	vshrl.u32 v3, $0x3  }
0x36: {  	v4 =	vmul.u32 $0x18, v62  }
0x37: {  	v3 =	vand.u32 $0x7, v3  }
0x38: {  	v3 =	vor.u32 v3, v4  }
0x39: {  	v4 =	vperm.xlane v3, v0;
	_ =	sdelay $0x1  }
0x3a: {  	v4 =	vadd.s32 v1, v4;
	_ =	sdelay $0x1  }
0x3b: {  	v3 =	vperm.xlane v3, v2;
	_ =	sdelay $0x1  }
0x3c: {  	v3 =	vadd.s32 v1, v3  }
0x3d: {  	[tilespmem:s17], [sflag:$0x1] =	stream.indirect_vreg.gather [hbm4b:s2+s3], $0x80, v4, vm0, $0xb8;
	[tilespmem:$0x6080] =	vst v63  }
0x3e: {  	_ = 	snop  }
0x3f: {  	[tilespmem:s18], [sflag:$0x1] =	stream.indirect_vreg.gather [hbm4b:s5+s3], $0x80, v4, vm1, $0xb8;
	[tilespmem:$0x6080] =	vst v63  }
0x40: {  	_ = 	snop  }
0x41: {  	[tilespmem:s19], [sflag:$0x1] =	stream.indirect_vreg.gather [hbm4b:s2+s3], $0x80, v3, vm0, $0xb8;
	[tilespmem:$0x6080] =	vst v63  }
0x42: {  	_ = 	snop  }
0x43: {  	[tilespmem:s20], [sflag:$0x1] =	stream.indirect_vreg.gather [hbm4b:s5+s3], $0x80, v3, vm1, $0xb8;
	[tilespmem:$0x6080] =	vst v63  }
0x44: {  	v3 =	vld [tilespmem:$0x30];
	_ =	sdelay $0x4  }
0x45: {  	v63 =	vshrl.u32 v3, $0x3  }
0x46: {  	v4 =	vmul.u32 $0x18, v63  }
0x47: {  	v3 =	vand.u32 $0x7, v3  }
0x48: {  	v3 =	vor.u32 v3, v4  }
0x49: {  	v4 =	vperm.xlane v3, v0;
	_ =	sdelay $0x1  }
0x4a: {  	v4 =	vadd.s32 v1, v4;
	_ =	sdelay $0x1  }
0x4b: {  	v3 =	vperm.xlane v3, v2;
	_ =	sdelay $0x1  }
0x4c: {  	v3 =	vadd.s32 v1, v3  }
0x4d: {  	[tilespmem:s21], [sflag:$0x1] =	stream.indirect_vreg.gather [hbm4b:s2+s3], $0x80, v4, vm0, $0xb8;
	[tilespmem:$0x6080] =	vst v63  }
0x4e: {  	_ = 	snop  }
0x4f: {  	[tilespmem:s22], [sflag:$0x1] =	stream.indirect_vreg.gather [hbm4b:s5+s3], $0x80, v4, vm1, $0xb8;
	[tilespmem:$0x6080] =	vst v63  }
0x50: {  	_ = 	snop  }
0x51: {  	[tilespmem:s23], [sflag:$0x1] =	stream.indirect_vreg.gather [hbm4b:s2+s3], $0x80, v3, vm0, $0xb8;
	[tilespmem:$0x6080] =	vst v63  }
0x52: {  	_ = 	snop  }
0x53: {  	[tilespmem:s24], [sflag:$0x1] =	stream.indirect_vreg.gather [hbm4b:s5+s3], $0x80, v3, vm1, $0xb8;
	[tilespmem:$0x6080] =	vst v63  }
0x54: {  	_ =	swait.ge [sflag:s25], $0x6000  }
0x55: {  	p0 =	sne.s32 s7, $0x1;
	[sflag:s25] =	ssyncset.done $0x0  }
.Ltmp0:
0x56: {  	[sflag:s25] =	ssyncadd.s32 $0xFFFFA000;
	(pc) =	sbr.rel @p0 .LBB2_1-.Ltmp0, $4  }
0x57: {  	[hbm4b:s6+s3] =	stream.linear.scatter [tilespmem:s9], [sflag:$0x2], $0x6000, $0x38;
	[tilespmem:$0x6080] =	vst v63  }
0x58: {  	_ =	swait.ge [sflag:s8], $0x6000  }
0x59: {  	[sflag:s8] =	ssyncset.done $0x0  }
0x5a: {  	s7 =	sadd.s32 $0xFFFFFFFF, s7;
	[sflag:s8] =	ssyncadd.s32 $0xFFFFA000  }
0x5b: {  	_ =	sfence.sel $0x180000  }
0x5c: {  	[bflag:$0x0] =	sbarrier.arrive $0xFFFF  }
0x5d: {  	p0 =	sne.s32 s1, $0x0;
	_ =	strace $0x90000047  }
0x5e: {  	s0 =	sadd.s32 @!p0 $0x100000, s0;
	[bflag:$0x2] =	sbarrier.arrive $0xFFFF  }
0x5f: {  	[sflag:s0] =	ssyncadd.tile.s32 @!p0 $0x1;
	_ =	shalt  }
.Lfunc_end2:
_tile_overlayer_lowered:
.L_overlay_start_2:
0x60: {  	(tag) =	ssettag $0x2  }
0x61: {  	s0 =	rddreg [dreg:$0x0];
	s2 =	stileid.u32  }
0x62: {  	s1 =	rddreg [dreg:$0x1];
	p0 =	sne.s32 s2, $0x0  }
0x63: {  	s3 =	rddreg [dreg:$0x2];
	[bflag:$0x3] =	sbarrier.arrive $0xFFFF;
	s2 =	simm.s32 @!p0 $0x1C02  }
0x64: {  	[timem:s3], [sflag:s2] =	dma.local @!p0 [hbm:s0], s1  }
0x65: {  	s0 =	simm.s32 @!p0 $0x2  }
0x66: {  	_ =	swait.ge @!p0 [sflag:s0], s1  }
0x67: {  	s1 =	ssub.s32 @!p0 $0x0, s1;
	[sflag:s0] =	ssyncset.done @!p0 $0x0  }
0x68: {  	[sflag:s0] =	ssyncadd.s32 @!p0 s1  }
0x69: {  	[bflag:$0x3] =	sbarrier.arrive $0xFFFF  }
0x6a: {  	_ =	shalt  }

// kernel: kernel.13.cloned.1.call-start
scs
__scs_entry_jumppad:
0x0: {  	(pc) =	sbr.rel $0x88, $3  }
0x1: {  	(tag) =	ssettag $0x0;
	lr =	simm.s32 $0x1  }
0x2: {  	[smem:$0x3F9F] =	sst lr;
	_ =	strace $0xD0000000  }
0x3: {  	_ = 	snop  }
0x4: {  	_ = 	snop  }
0x5: {  	_ = 	snop  }
0x6: {  	_ = 	snop  }
0x7: {  	_ = 	snop  }
__scs_overlays_trampoline_lowered:
0x8: {  	[smem:$0x3FAE] =	sst s0  }
0x9: {  	[smem:$0x3FAF] =	sst s1  }
0xa: {  	[smem:$0x3FB0] =	sst s2  }
0xb: {  	[smem:$0x3FB1] =	sst s3  }
0xc: {  	[smem:$0x3FB2] =	sst s4  }
0xd: {  	[smem:$0x3FB3] =	sst s5  }
0xe: {  	[smem:$0x3FB4] =	sst s6  }
0xf: {  	[smem:$0x3FB5] =	sst s7  }
0x10: {  	[smem:$0x3FB6] =	sst s8  }
0x11: {  	[smem:$0x3FB7] =	sst s9;
	s0 =	simm.s32 @!p0 $0x0  }
0x12: {  	s1 =	sld [smem:$0x3F9D];
	s0 =	simm.s32 @p0 $0x1  }
0x13: {  	[smem:$0x3FB8] =	sst s0;
	s0 =	simm.s32 @!p1 $0x0  }
0x14: {  	s2 =	sld [smem:$0x3F9C];
	s0 =	simm.s32 @p1 $0x1  }
0x15: {  	[smem:$0x3FB9] =	sst s0;
	s0 =	simm.s32 @!p2 $0x0  }
0x16: {  	s3 =	sld [smem:$0x3FDB];
	s0 =	simm.s32 @p2 $0x1  }
0x17: {  	s4 =	simm.s32 $0x1BF5;
	[smem:$0x3FBB] =	sst s0  }
0x18: {  	s0 =	sld [smem:$0x3F9E];
	_ =	swait.ge [sflag:s4], $0x0  }
0x19: {  	s7 =	sld [smem:$0x3F9F]  }
0x1a: {  	s8 =	sadd.s32 $0xFFFFE003, lr  }
0x1b: {  	s9 =	sadd.s32 $0xFFFFFEF7, lr;
	s5 =	simm.s32 $0xFFFFFFFF;
	p2 =	slt.u32 s8, $0xFFFFF086  }
0x1c: {  	p1 =	slt.u32 s9, $0xF7A;
	s5 =	simm.s32 @!p2 $0x0  }
0x1d: {  	s5 =	simm.s32 @p1 $0x1;
	p0 =	seq.s32 s7, s2  }
0x1e: {  	s7 =	smul.u32 @!p0 $0xF7A, s2;
	p2 =	seq.s32 @!p0 s5, $0x0  }
0x1f: {  	s9 =	smul.u32 $0xF7A, s1;
	s8 =	simm.s32 @!p0 $0x1BF5;
	p2 =	por !p2, p0  }
0x20: {  	[sflag:s8] =	ssyncset.s32 @!p0 $0xFFFFF086;
	s6 =	sadd.s32 @!p0 s3, s7;
	s7 =	simm.s32 @!p0 $0x108  }
0x21: {  	s3 =	sadd.s32 s3, s9;
	s6 =	sadd.s32 @!p0 $0x88, s6;
	s7 =	simm.s32 @p2 $0x1082  }
0x22: {  	[simem:s7], [sflag:s8] =	dma.local @!p0 [hbm:s6], $0xF7A  }
0x23: {  	s9 =	sor.u32 $0xD0000000, s2;
	s6 =	simm.s32 $0x108;
	_ =	swait.ge @!p0 [sflag:s8], $0x0  }
0x24: {  	s3 =	sadd.s32 $0x88, s3;
	s6 =	simm.s32 @!p1 $0x1082;
	[sflag:s4] =	ssyncset.s32 $0xFFFFF086  }
0x25: {  	[simem:s6], [sflag:s4] =	dma.local [hbm:s3], $0xF7A  }
0x26: {  	[smem:$0x3F9F] =	sst s1;
	(tag) =	ssettag s2;
	_ =	strace s9  }
0x27: {  	s1 =	sld [smem:$0x3FAF]  }
0x28: {  	s2 =	sld [smem:$0x3FB0]  }
0x29: {  	s4 =	sld [smem:$0x3FB2]  }
0x2a: {  	p0 =	seq.s32 s5, $0x0;
	s5 =	sld [smem:$0x3FB3]  }
0x2b: {  	s6 =	sld [smem:$0x3FB4]  }
0x2c: {  	s7 =	sld [smem:$0x3FB5]  }
0x2d: {  	s3 =	simm.s32 $0x108;
	s8 =	sld [smem:$0x3FB6]  }
0x2e: {  	s3 =	simm.s32 @!p0 $0x1082;
	s9 =	sld [smem:$0x3FB7]  }
0x2f: {  	lr =	sadd.s32 s0, s3;
	s0 =	sld [smem:$0x3FAE]  }
0x30: {  	s3 =	sld [smem:$0x3FB1]  }
0x31: {  	[smem:$0x3FBA] =	sst s10  }
0x32: {  	s10 =	sld [smem:$0x3FB8];
	_ =	sdelay $0x3  }
0x33: {  	p0 =	seq.s32 s10, $0x1;
	s10 =	sld [smem:$0x3FBA];
	_ =	sdelay $0x3  }
0x34: {  	[smem:$0x3FBA] =	sst s10  }
0x35: {  	s10 =	sld [smem:$0x3FB9];
	_ =	sdelay $0x3  }
0x36: {  	p1 =	seq.s32 s10, $0x1;
	s10 =	sld [smem:$0x3FBA];
	_ =	sdelay $0x3  }
0x37: {  	[smem:$0x3FBA] =	sst s10  }
0x38: {  	s10 =	sld [smem:$0x3FBB]  }
0x39: {  	_ = 	snop;
	(pc) =	sbr.ind lr, $3  }
0x3a: {  	_ = 	snop  }
0x3b: {  	_ = 	snop  }
0x3c: {  	p2 =	seq.s32 s10, $0x1;
	s10 =	sld [smem:$0x3FBA]  }
0x3d: {  	_ =	shalt  }
0x3e: {  	_ =	shalt  }
0x3f: {  	_ =	shalt  }
0x40: {  	_ =	shalt  }
0x41: {  	_ =	shalt  }
0x42: {  	_ =	shalt  }
0x43: {  	_ =	shalt  }
0x44: {  	_ =	shalt  }
0x45: {  	_ =	shalt  }
0x46: {  	_ =	shalt  }
0x47: {  	_ =	shalt  }
0x48: {  	_ =	shalt  }
0x49: {  	_ =	shalt  }
0x4a: {  	_ =	shalt  }
0x4b: {  	_ =	shalt  }
0x4c: {  	_ =	shalt  }
0x4d: {  	_ =	shalt  }
0x4e: {  	_ =	shalt  }
0x4f: {  	_ =	shalt  }
0x50: {  	_ =	shalt  }
0x51: {  	_ =	shalt  }
0x52: {  	_ =	shalt  }
0x53: {  	_ =	shalt  }
0x54: {  	_ =	shalt  }
0x55: {  	_ =	shalt  }
0x56: {  	_ =	shalt  }
0x57: {  	_ =	shalt  }
0x58: {  	_ =	shalt  }
0x59: {  	_ =	shalt  }
0x5a: {  	_ =	shalt  }
0x5b: {  	_ =	shalt  }
0x5c: {  	_ =	shalt  }
0x5d: {  	_ =	shalt  }
0x5e: {  	_ =	shalt  }
0x5f: {  	_ =	shalt  }
0x60: {  	_ =	shalt  }
0x61: {  	_ =	shalt  }
0x62: {  	_ =	shalt  }
0x63: {  	_ =	shalt  }
0x64: {  	_ =	shalt  }
0x65: {  	_ =	shalt  }
0x66: {  	_ =	shalt  }
0x67: {  	_ =	shalt  }
0x68: {  	_ =	shalt  }
0x69: {  	_ =	shalt  }
0x6a: {  	_ =	shalt  }
0x6b: {  	_ =	shalt  }
0x6c: {  	_ =	shalt  }
0x6d: {  	_ =	shalt  }
0x6e: {  	_ =	shalt  }
0x6f: {  	_ =	shalt  }
0x70: {  	_ =	shalt  }
0x71: {  	_ =	shalt  }
0x72: {  	_ =	shalt  }
0x73: {  	_ =	shalt  }
0x74: {  	_ =	shalt  }
0x75: {  	_ =	shalt  }
0x76: {  	_ =	shalt  }
0x77: {  	_ =	shalt  }
0x78: {  	_ =	shalt  }
0x79: {  	_ =	shalt  }
0x7a: {  	_ =	shalt  }
0x7b: {  	_ =	shalt  }
0x7c: {  	_ =	shalt  }
0x7d: {  	_ =	shalt  }
0x7e: {  	_ =	shalt  }
0x7f: {  	_ =	shalt  }
0x80: {  	_ =	shalt  }
0x81: {  	_ =	shalt  }
0x82: {  	_ =	shalt  }
0x83: {  	_ =	shalt  }
0x84: {  	_ =	shalt  }
0x85: {  	_ =	shalt  }
0x86: {  	_ =	shalt  }
0x87: {  	_ =	shalt  }
.Lfunc_end0:
.L_simem_size_0:
called_computation.1_lowered:
.L_overlay_start_0:
0x88: {  	s2 =	sld [smem:$0x3FD9]  }
0x89: {  	s3 =	sld [smem:$0x3FFE];
	_ =	sdelay $0x1  }
0x8a: {  	s1 =	srdreg.scid  }
0x8b: {  	s0 =	sand.u32 $0x1, s1  }
0x8c: {  	s14 =	sshll.u32 s0, $0xA;
	s2 =	sadd.s32 s3, s2  }
0x8d: {  	s2 =	sadd.s32 s2, s14  }
0x8e: {  	[smem:$0x3FC6] =	sst s2  }
0x8f: {  	_ = 	snop  }
0x90: {  	s2 =	sld [smem:$0x3FD0];
	_ =	sdelay $0x2  }
0x91: {  	s4 =	simm.s32 $0xA;
	s5 =	simm.s32 $0x10;
	s15 =	sld [smem:$0x3FC8]  }
0x92: {  	[smem:s5], [sflag:s4] =	dma.local [hbm:s2], $0x1  }
0x93: {  	_ =	swait.eq [sflag:s4], $0x1  }
0x94: {  	[sflag:s4] =	ssyncset.done $0x0  }
0x95: {  	[sflag:s4] =	ssyncadd.s32 $0xFFFFFFFF  }
0x96: {  	s16 =	sld [smem:$0x10];
	(tm) =	ssettm $0x1  }
0x97: {  	s17 =	sld [smem:$0x3FFB];
	_ =	sdelay $0x3  }
0x98: {  	_ =	strace s17  }
0x99: {  	s4 =	sld [smem:$0x3FFC];
	_ =	sdelay $0x3  }
0x9a: {  	_ =	strace s4  }
0x9b: {  	s4 =	sld [smem:$0x3FFD];
	_ =	sdelay $0x3  }
0x9c: {  	_ =	strace s4  }
0x9d: {  	_ =	strace $0x8FFFFFFF  }
0x9e: {  	s18 =	sld [smem:$0x3FDB];
	_ =	sdelay $0x1  }
0x9f: {  	s19 =	simm.s32 $_scs_section_size  }
0xa0: {  	s6 =	simm.s32 $_size__tile_overlayer_lowered;
	s7 =	simm.s32 $_tile_overlayer_lowered  }
0xa1: {  	s22 =	simm.s32 $0x1BFF;
	s21 =	sshll.u32 s7, $0x1;
	s4 =	sadd.s32 s19, s18  }
0xa2: {  	s8 =	simm.s32 $0x0;
	s20 =	sshll.u32 s6, $0x1;
	s6 =	sadd.s32 s21, s4  }
0xa3: {  	[timem:s8], [sflag:s22] =	dma.local [hbm:s6], s20  }
0xa4: {  	_ =	swait.ge [sflag:s22], s20  }
0xa5: {  	s5 =	ssub.s32 $0x0, s20;
	[sflag:s22] =	ssyncset.done $0x0  }
0xa6: {  	[sflag:s22] =	ssyncadd.s32 s5;
	_ =	sdelay $0x1  }
0xa7: {  	s23 =	simm.s32 $0x1B8B  }
0xa8: {  	_ =	swait.ge [sflag:s23], $0x1  }
0xa9: {  	[sflag:s23] =	ssyncset.done $0x0  }
0xaa: {  	s25 =	simm.s32 $0x1B8E;
	s24 =	sld [smem:$0x3FFE];
	[sflag:s23] =	ssyncadd.s32 $0xFFFFFFFF  }
0xab: {  	s26 =	simm.s32 $execute0_lowered;
	[smem:$0x3FD2] =	sst s25  }
0xac: {  	s6 =	sshll.u32 s26, $0x1;
	_ =	strace $0x80000049;
	[dreg:$0x1] =	wrdreg $0xFFFFFFFF  }
0xad: {  	s28 =	simm.s32 $_size_execute0_lowered;
	s4 =	sadd.s32 s4, s6;
	[dreg:$0x0] =	wrdreg $0x0  }
0xae: {  	s6 =	sshll.u32 s28, $0x1;
	[dreg:$0x2] =	wrdreg s4  }
0xaf: {  	[dreg:$0x3] =	wrdreg s6  }
0xb0: {  	[dreg:$0x4] =	wrdreg $0xC0  }
0xb1: {  	_ =	task [dreg:s8], $0x5FFFF  }
0xb2: {  	[dreg:$0x1] =	wrdreg $0xFFFFFFFF  }
0xb3: {  	[dreg:$0x0] =	wrdreg $0x60  }
0xb4: {  	[dreg:$0x2] =	wrdreg s24  }
0xb5: {  	[dreg:$0x3] =	wrdreg s15  }
0xb6: {  	[dreg:$0x4] =	wrdreg s16  }
0xb7: {  	[dreg:$0x5] =	wrdreg $0x9  }
0xb8: {  	_ =	task.clear_ibuf [dreg:s8], $0x6FFFF;
	_ =	strace $0x90000049  }
0xb9: {  	s29 =	simm.s32 $0x9;
	_ =	strace $0x8000004B  }
0xba: {  	_ =	swait.ge [sflag:s29], $0x1  }
0xbb: {  	[sflag:s29] =	ssyncadd.s32 $0xFFFFFFFF  }
0xbc: {  	_ =	strace $0x9000004B  }
0xbd: {  	_ =	sfence  }
0xbe: {  	s30 =	sld [smem:$0x0];
	_ =	sdelay $0x2  }
0xbf: {  	s31 =	sshll.u32 s1, $0xD;
	s1 =	sshrl.u32 s1, $0x2  }
0xc0: {  	s3 =	sand.u32 $0x4000, s31;
	s1 =	sadd.s32 s1, s30  }
0xc1: {  	s0 =	sor.u32 s3, s0;
	s1 =	sshll.u32 s1, $0x11  }
0xc2: {  	s0 =	sor.u32 s1, s0  }
0xc3: {  	s0 =	sadd.s32 $0x8F2B, s0  }
0xc4: {  	[sflag:s0] =	ssyncadd.remote.s32 $0x1  }
0xc5: {  	_ =	sfence.sel $0xFFFF  }
0xc6: {  	[dreg:$0x0] =	wrdreg $0xFFFFFFFF;
	(pc) =	sbr.abs _section_cstart, $3  }
0xc7: {  	[dreg:$0x1] =	wrdreg $0xFFFFFFFF  }
0xc8: {  	_ =	task.clear_ibuf [dreg:s8], $0x2FFFF;
	_ =	strace $0x9FFFFFFF  }
0xc9: {  	(tm) =	ssettm $0x7FFFFFFF  }
tec
execute0_lowered:
.L_overlay_start_1:
0x0: {  	(tag) =	ssettag $0x1  }
0x1: {  	s4 =	rddreg [dreg:$0x0]  }
0x2: {  	s1 =	srdreg.scid;
	s2 =	rddreg [dreg:$0x1]  }
0x3: {  	s0 =	stileid.u32;
	s6 =	rddreg [dreg:$0x2]  }
0x4: {  	s3 =	simm.s32 $0x0;
	s9 =	simm.s32 $0x80;
	s10 =	simm.s32 $0x880  }
0x5: {  	s11 =	simm.s32 $0xC80;
	s12 =	simm.s32 $0x1480;
	s13 =	simm.s32 $0x1880  }
0x6: {  	s14 =	simm.s32 $0x2080;
	s15 =	simm.s32 $0x2480;
	s16 =	simm.s32 $0x2C80  }
0x7: {  	s17 =	simm.s32 $0x3080;
	s18 =	simm.s32 $0x3880;
	s19 =	simm.s32 $0x3C80  }
0x8: {  	s20 =	simm.s32 $0x4480;
	s21 =	simm.s32 $0x4880;
	s22 =	simm.s32 $0x5080  }
0x9: {  	s23 =	simm.s32 $0x5480;
	s24 =	simm.s32 $0x5C80;
	s5 =	sand.u32 $0x1, s1  }
0xa: {  	s25 =	simm.s32 $0x1;
	s7 =	sshll.u32 s0, $0x4;
	s8 =	sshll.u32 s5, $0x3  }
0xb: {  	s1 =	rddreg [dreg:$0x3];
	s5 =	ssub.s32 $0x2, s5;
	s7 =	sor.u32 s8, s7  }
0xc: {  	[smem:$0x7FF] =	sst s3;
	s31 =	sshrl.u32 s5, $0x1;
	s8 =	smul.u32 $0x180, s7  }
0xd: {  	v2 =	vlaneseq.u32;
	_ =	strace $0x8000004A;
	s4 =	sadd.s32 s7, s4;
	s7 =	ssub.s32 s5, s31  }
0xe: {  	vm0 =	vmmov $0xffff;
	vm1 =	vmmov $0xff;
	v1 =	vshrl.u32 v2, $0x3;
	s5 =	sadd.s32 $0x100, s2;
	s4 =	sadd.s32 $0x1A00, s4;
	s6 =	sadd.s32 s8, s6  }
0xf: {  	v0 =	vand.u32 $0x7, v2;
	v2 =	vor.u32 $0x8, v2;
	v1 =	vmul.u32 $0x8, v1;
	s7 =	smax.u32 s7, $0x1;
	s8 =	simm.s32 $0x2;
	s6 =	sadd.s32 $0x18000, s6  }
.LBB2_1:
0x10: {  	[tilespmem:s3], [sflag:$0x2] =	stream.linear.gather [hbm4b:s4+s3], $0x40, $0x38;
	[tilespmem:$0x6080] =	vst v63  }
0x11: {  	_ =	swait.ge [sflag:s8], $0x40  }
0x12: {  	[sflag:s8] =	ssyncset.done $0x0  }
0x13: {  	[sflag:s8] =	ssyncadd.s32 $0xFFFFFFC0  }
0x14: {  	v3 =	vld [tilespmem:$0x0];
	_ =	sdelay $0x4  }
0x15: {  	v4 =	vshrl.u32 v3, $0x3  }
0x16: {  	v4 =	vmul.u32 $0x18, v4  }
0x17: {  	v3 =	vand.u32 $0x7, v3  }
0x18: {  	v3 =	vor.u32 v3, v4  }
0x19: {  	v4 =	vperm.xlane v3, v0;
	_ =	sdelay $0x1  }
0x1a: {  	v4 =	vadd.s32 v1, v4;
	_ =	sdelay $0x1  }
0x1b: {  	v3 =	vperm.xlane v3, v2;
	_ =	sdelay $0x1  }
0x1c: {  	v3 =	vadd.s32 v1, v3  }
0x1d: {  	[tilespmem:s9], [sflag:$0x1] =	stream.indirect_vreg.gather [hbm4b:s2+s3], $0x80, v4, vm0, $0xb8;
	[tilespmem:$0x6080] =	vst v63  }
0x1e: {  	_ = 	snop  }
0x1f: {  	[tilespmem:s10], [sflag:$0x1] =	stream.indirect_vreg.gather [hbm4b:s5+s3], $0x80, v4, vm1, $0xb8;
	[tilespmem:$0x6080] =	vst v63  }
0x20: {  	_ = 	snop  }
0x21: {  	[tilespmem:s11], [sflag:$0x1] =	stream.indirect_vreg.gather [hbm4b:s2+s3], $0x80, v3, vm0, $0xb8;
	[tilespmem:$0x6080] =	vst v63  }
0x22: {  	_ = 	snop  }
0x23: {  	[tilespmem:s12], [sflag:$0x1] =	stream.indirect_vreg.gather [hbm4b:s5+s3], $0x80, v3, vm1, $0xb8;
	[tilespmem:$0x6080] =	vst v63  }
0x24: {  	v3 =	vld [tilespmem:$0x10];
	_ =	sdelay $0x4  }
0x25: {  	v61 =	vshrl.u32 v3, $0x3  }
0x26: {  	v4 =	vmul.u32 $0x18, v61  }
0x27: {  	v3 =	vand.u32 $0x7, v3  }
0x28: {  	v3 =	vor.u32 v3, v4  }
0x29: {  	v4 =	vperm.xlane v3, v0;
	_ =	sdelay $0x1  }
0x2a: {  	v4 =	vadd.s32 v1, v4;
	_ =	sdelay $0x1  }
0x2b: {  	v3 =	vperm.xlane v3, v2;
	_ =	sdelay $0x1  }
0x2c: {  	v3 =	vadd.s32 v1, v3  }
0x2d: {  	[tilespmem:s13], [sflag:$0x1] =	stream.indirect_vreg.gather [hbm4b:s2+s3], $0x80, v4, vm0, $0xb8;
	[tilespmem:$0x6080] =	vst v63  }
0x2e: {  	_ = 	snop  }
0x2f: {  	[tilespmem:s14], [sflag:$0x1] =	stream.indirect_vreg.gather [hbm4b:s5+s3], $0x80, v4, vm1, $0xb8;
	[tilespmem:$0x6080] =	vst v63  }
0x30: {  	_ = 	snop  }
0x31: {  	[tilespmem:s15], [sflag:$0x1] =	stream.indirect_vreg.gather [hbm4b:s2+s3], $0x80, v3, vm0, $0xb8;
	[tilespmem:$0x6080] =	vst v63  }
0x32: {  	_ = 	snop  }
0x33: {  	[tilespmem:s16], [sflag:$0x1] =	stream.indirect_vreg.gather [hbm4b:s5+s3], $0x80, v3, vm1, $0xb8;
	[tilespmem:$0x6080] =	vst v63  }
0x34: {  	v3 =	vld [tilespmem:$0x20];
	_ =	sdelay $0x4  }
0x35: {  	v62 =	vshrl.u32 v3, $0x3  }
0x36: {  	v4 =	vmul.u32 $0x18, v62  }
0x37: {  	v3 =	vand.u32 $0x7, v3  }
0x38: {  	v3 =	vor.u32 v3, v4  }
0x39: {  	v4 =	vperm.xlane v3, v0;
	_ =	sdelay $0x1  }
0x3a: {  	v4 =	vadd.s32 v1, v4;
	_ =	sdelay $0x1  }
0x3b: {  	v3 =	vperm.xlane v3, v2;
	_ =	sdelay $0x1  }
0x3c: {  	v3 =	vadd.s32 v1, v3  }
0x3d: {  	[tilespmem:s17], [sflag:$0x1] =	stream.indirect_vreg.gather [hbm4b:s2+s3], $0x80, v4, vm0, $0xb8;
	[tilespmem:$0x6080] =	vst v63  }
0x3e: {  	_ = 	snop  }
0x3f: {  	[tilespmem:s18], [sflag:$0x1] =	stream.indirect_vreg.gather [hbm4b:s5+s3], $0x80, v4, vm1, $0xb8;
	[tilespmem:$0x6080] =	vst v63  }
0x40: {  	_ = 	snop  }
0x41: {  	[tilespmem:s19], [sflag:$0x1] =	stream.indirect_vreg.gather [hbm4b:s2+s3], $0x80, v3, vm0, $0xb8;
	[tilespmem:$0x6080] =	vst v63  }
0x42: {  	_ = 	snop  }
0x43: {  	[tilespmem:s20], [sflag:$0x1] =	stream.indirect_vreg.gather [hbm4b:s5+s3], $0x80, v3, vm1, $0xb8;
	[tilespmem:$0x6080] =	vst v63  }
0x44: {  	v3 =	vld [tilespmem:$0x30];
	_ =	sdelay $0x4  }
0x45: {  	v63 =	vshrl.u32 v3, $0x3  }
0x46: {  	v4 =	vmul.u32 $0x18, v63  }
0x47: {  	v3 =	vand.u32 $0x7, v3  }
0x48: {  	v3 =	vor.u32 v3, v4  }
0x49: {  	v4 =	vperm.xlane v3, v0;
	_ =	sdelay $0x1  }
0x4a: {  	v4 =	vadd.s32 v1, v4;
	_ =	sdelay $0x1  }
0x4b: {  	v3 =	vperm.xlane v3, v2;
	_ =	sdelay $0x1  }
0x4c: {  	v3 =	vadd.s32 v1, v3  }
0x4d: {  	[tilespmem:s21], [sflag:$0x1] =	stream.indirect_vreg.gather [hbm4b:s2+s3], $0x80, v4, vm0, $0xb8;
	[tilespmem:$0x6080] =	vst v63  }
0x4e: {  	_ = 	snop  }
0x4f: {  	[tilespmem:s22], [sflag:$0x1] =	stream.indirect_vreg.gather [hbm4b:s5+s3], $0x80, v4, vm1, $0xb8;
	[tilespmem:$0x6080] =	vst v63  }
0x50: {  	_ = 	snop  }
0x51: {  	[tilespmem:s23], [sflag:$0x1] =	stream.indirect_vreg.gather [hbm4b:s2+s3], $0x80, v3, vm0, $0xb8;
	[tilespmem:$0x6080] =	vst v63  }
0x52: {  	_ = 	snop  }
0x53: {  	[tilespmem:s24], [sflag:$0x1] =	stream.indirect_vreg.gather [hbm4b:s5+s3], $0x80, v3, vm1, $0xb8;
	[tilespmem:$0x6080] =	vst v63  }
0x54: {  	_ =	swait.ge [sflag:s25], $0x6000  }
0x55: {  	p0 =	sne.s32 s7, $0x1;
	[sflag:s25] =	ssyncset.done $0x0  }
.Ltmp0:
0x56: {  	[sflag:s25] =	ssyncadd.s32 $0xFFFFA000;
	(pc) =	sbr.rel @p0 .LBB2_1-.Ltmp0, $4  }
0x57: {  	[hbm4b:s6+s3] =	stream.linear.scatter [tilespmem:s9], [sflag:$0x2], $0x6000, $0x38;
	[tilespmem:$0x6080] =	vst v63  }
0x58: {  	_ =	swait.ge [sflag:s8], $0x6000  }
0x59: {  	[sflag:s8] =	ssyncset.done $0x0  }
0x5a: {  	s7 =	sadd.s32 $0xFFFFFFFF, s7;
	[sflag:s8] =	ssyncadd.s32 $0xFFFFA000  }
0x5b: {  	_ =	sfence.sel $0x180000  }
0x5c: {  	[bflag:$0x0] =	sbarrier.arrive $0xFFFF  }
0x5d: {  	p0 =	sne.s32 s0, $0x0;
	_ =	strace $0x9000004A  }
0x5e: {  	s0 =	sadd.s32 @!p0 $0x100000, s1;
	[bflag:$0x2] =	sbarrier.arrive $0xFFFF  }
0x5f: {  	[sflag:s0] =	ssyncadd.tile.s32 @!p0 $0x1;
	_ =	shalt  }
.Lfunc_end2:
_tile_overlayer_lowered:
.L_overlay_start_2:
0x60: {  	(tag) =	ssettag $0x2  }
0x61: {  	s0 =	rddreg [dreg:$0x0];
	s2 =	stileid.u32  }
0x62: {  	s1 =	rddreg [dreg:$0x1];
	p0 =	sne.s32 s2, $0x0  }
0x63: {  	s3 =	rddreg [dreg:$0x2];
	[bflag:$0x3] =	sbarrier.arrive $0xFFFF;
	s2 =	simm.s32 @!p0 $0x1C02  }
0x64: {  	[timem:s3], [sflag:s2] =	dma.local @!p0 [hbm:s0], s1  }
0x65: {  	s0 =	simm.s32 @!p0 $0x2  }
0x66: {  	_ =	swait.ge @!p0 [sflag:s0], s1  }
0x67: {  	s1 =	ssub.s32 @!p0 $0x0, s1;
	[sflag:s0] =	ssyncset.done @!p0 $0x0  }
0x68: {  	[sflag:s0] =	ssyncadd.s32 @!p0 s1  }
0x69: {  	[bflag:$0x3] =	sbarrier.arrive $0xFFFF  }
0x6a: {  	_ =	shalt  }

// kernel: kernel.16.cloned.1.call-start
scs
__scs_entry_jumppad:
0x0: {  	(pc) =	sbr.rel $0x88, $3  }
0x1: {  	(tag) =	ssettag $0x0;
	lr =	simm.s32 $0x1  }
0x2: {  	[smem:$0x3F9F] =	sst lr;
	_ =	strace $0xD0000000  }
0x3: {  	_ = 	snop  }
0x4: {  	_ = 	snop  }
0x5: {  	_ = 	snop  }
0x6: {  	_ = 	snop  }
0x7: {  	_ = 	snop  }
__scs_overlays_trampoline_lowered:
0x8: {  	[smem:$0x3FAE] =	sst s0  }
0x9: {  	[smem:$0x3FAF] =	sst s1  }
0xa: {  	[smem:$0x3FB0] =	sst s2  }
0xb: {  	[smem:$0x3FB1] =	sst s3  }
0xc: {  	[smem:$0x3FB2] =	sst s4  }
0xd: {  	[smem:$0x3FB3] =	sst s5  }
0xe: {  	[smem:$0x3FB4] =	sst s6  }
0xf: {  	[smem:$0x3FB5] =	sst s7  }
0x10: {  	[smem:$0x3FB6] =	sst s8  }
0x11: {  	[smem:$0x3FB7] =	sst s9;
	s0 =	simm.s32 @!p0 $0x0  }
0x12: {  	s1 =	sld [smem:$0x3F9D];
	s0 =	simm.s32 @p0 $0x1  }
0x13: {  	[smem:$0x3FB8] =	sst s0;
	s0 =	simm.s32 @!p1 $0x0  }
0x14: {  	s2 =	sld [smem:$0x3F9C];
	s0 =	simm.s32 @p1 $0x1  }
0x15: {  	[smem:$0x3FB9] =	sst s0;
	s0 =	simm.s32 @!p2 $0x0  }
0x16: {  	s3 =	sld [smem:$0x3FDB];
	s0 =	simm.s32 @p2 $0x1  }
0x17: {  	s4 =	simm.s32 $0x1BF5;
	[smem:$0x3FBB] =	sst s0  }
0x18: {  	s0 =	sld [smem:$0x3F9E];
	_ =	swait.ge [sflag:s4], $0x0  }
0x19: {  	s7 =	sld [smem:$0x3F9F]  }
0x1a: {  	s8 =	sadd.s32 $0xFFFFE003, lr  }
0x1b: {  	s9 =	sadd.s32 $0xFFFFFEF7, lr;
	s5 =	simm.s32 $0xFFFFFFFF;
	p2 =	slt.u32 s8, $0xFFFFF086  }
0x1c: {  	p1 =	slt.u32 s9, $0xF7A;
	s5 =	simm.s32 @!p2 $0x0  }
0x1d: {  	s5 =	simm.s32 @p1 $0x1;
	p0 =	seq.s32 s7, s2  }
0x1e: {  	s7 =	smul.u32 @!p0 $0xF7A, s2;
	p2 =	seq.s32 @!p0 s5, $0x0  }
0x1f: {  	s9 =	smul.u32 $0xF7A, s1;
	s8 =	simm.s32 @!p0 $0x1BF5;
	p2 =	por !p2, p0  }
0x20: {  	[sflag:s8] =	ssyncset.s32 @!p0 $0xFFFFF086;
	s6 =	sadd.s32 @!p0 s3, s7;
	s7 =	simm.s32 @!p0 $0x108  }
0x21: {  	s3 =	sadd.s32 s3, s9;
	s6 =	sadd.s32 @!p0 $0x88, s6;
	s7 =	simm.s32 @p2 $0x1082  }
0x22: {  	[simem:s7], [sflag:s8] =	dma.local @!p0 [hbm:s6], $0xF7A  }
0x23: {  	s9 =	sor.u32 $0xD0000000, s2;
	s6 =	simm.s32 $0x108;
	_ =	swait.ge @!p0 [sflag:s8], $0x0  }
0x24: {  	s3 =	sadd.s32 $0x88, s3;
	s6 =	simm.s32 @!p1 $0x1082;
	[sflag:s4] =	ssyncset.s32 $0xFFFFF086  }
0x25: {  	[simem:s6], [sflag:s4] =	dma.local [hbm:s3], $0xF7A  }
0x26: {  	[smem:$0x3F9F] =	sst s1;
	(tag) =	ssettag s2;
	_ =	strace s9  }
0x27: {  	s1 =	sld [smem:$0x3FAF]  }
0x28: {  	s2 =	sld [smem:$0x3FB0]  }
0x29: {  	s4 =	sld [smem:$0x3FB2]  }
0x2a: {  	p0 =	seq.s32 s5, $0x0;
	s5 =	sld [smem:$0x3FB3]  }
0x2b: {  	s6 =	sld [smem:$0x3FB4]  }
0x2c: {  	s7 =	sld [smem:$0x3FB5]  }
0x2d: {  	s3 =	simm.s32 $0x108;
	s8 =	sld [smem:$0x3FB6]  }
0x2e: {  	s3 =	simm.s32 @!p0 $0x1082;
	s9 =	sld [smem:$0x3FB7]  }
0x2f: {  	lr =	sadd.s32 s0, s3;
	s0 =	sld [smem:$0x3FAE]  }
0x30: {  	s3 =	sld [smem:$0x3FB1]  }
0x31: {  	[smem:$0x3FBA] =	sst s10  }
0x32: {  	s10 =	sld [smem:$0x3FB8];
	_ =	sdelay $0x3  }
0x33: {  	p0 =	seq.s32 s10, $0x1;
	s10 =	sld [smem:$0x3FBA];
	_ =	sdelay $0x3  }
0x34: {  	[smem:$0x3FBA] =	sst s10  }
0x35: {  	s10 =	sld [smem:$0x3FB9];
	_ =	sdelay $0x3  }
0x36: {  	p1 =	seq.s32 s10, $0x1;
	s10 =	sld [smem:$0x3FBA];
	_ =	sdelay $0x3  }
0x37: {  	[smem:$0x3FBA] =	sst s10  }
0x38: {  	s10 =	sld [smem:$0x3FBB]  }
0x39: {  	_ = 	snop;
	(pc) =	sbr.ind lr, $3  }
0x3a: {  	_ = 	snop  }
0x3b: {  	_ = 	snop  }
0x3c: {  	p2 =	seq.s32 s10, $0x1;
	s10 =	sld [smem:$0x3FBA]  }
0x3d: {  	_ =	shalt  }
0x3e: {  	_ =	shalt  }
0x3f: {  	_ =	shalt  }
0x40: {  	_ =	shalt  }
0x41: {  	_ =	shalt  }
0x42: {  	_ =	shalt  }
0x43: {  	_ =	shalt  }
0x44: {  	_ =	shalt  }
0x45: {  	_ =	shalt  }
0x46: {  	_ =	shalt  }
0x47: {  	_ =	shalt  }
0x48: {  	_ =	shalt  }
0x49: {  	_ =	shalt  }
0x4a: {  	_ =	shalt  }
0x4b: {  	_ =	shalt  }
0x4c: {  	_ =	shalt  }
0x4d: {  	_ =	shalt  }
0x4e: {  	_ =	shalt  }
0x4f: {  	_ =	shalt  }
0x50: {  	_ =	shalt  }
0x51: {  	_ =	shalt  }
0x52: {  	_ =	shalt  }
0x53: {  	_ =	shalt  }
0x54: {  	_ =	shalt  }
0x55: {  	_ =	shalt  }
0x56: {  	_ =	shalt  }
0x57: {  	_ =	shalt  }
0x58: {  	_ =	shalt  }
0x59: {  	_ =	shalt  }
0x5a: {  	_ =	shalt  }
0x5b: {  	_ =	shalt  }
0x5c: {  	_ =	shalt  }
0x5d: {  	_ =	shalt  }
0x5e: {  	_ =	shalt  }
0x5f: {  	_ =	shalt  }
0x60: {  	_ =	shalt  }
0x61: {  	_ =	shalt  }
0x62: {  	_ =	shalt  }
0x63: {  	_ =	shalt  }
0x64: {  	_ =	shalt  }
0x65: {  	_ =	shalt  }
0x66: {  	_ =	shalt  }
0x67: {  	_ =	shalt  }
0x68: {  	_ =	shalt  }
0x69: {  	_ =	shalt  }
0x6a: {  	_ =	shalt  }
0x6b: {  	_ =	shalt  }
0x6c: {  	_ =	shalt  }
0x6d: {  	_ =	shalt  }
0x6e: {  	_ =	shalt  }
0x6f: {  	_ =	shalt  }
0x70: {  	_ =	shalt  }
0x71: {  	_ =	shalt  }
0x72: {  	_ =	shalt  }
0x73: {  	_ =	shalt  }
0x74: {  	_ =	shalt  }
0x75: {  	_ =	shalt  }
0x76: {  	_ =	shalt  }
0x77: {  	_ =	shalt  }
0x78: {  	_ =	shalt  }
0x79: {  	_ =	shalt  }
0x7a: {  	_ =	shalt  }
0x7b: {  	_ =	shalt  }
0x7c: {  	_ =	shalt  }
0x7d: {  	_ =	shalt  }
0x7e: {  	_ =	shalt  }
0x7f: {  	_ =	shalt  }
0x80: {  	_ =	shalt  }
0x81: {  	_ =	shalt  }
0x82: {  	_ =	shalt  }
0x83: {  	_ =	shalt  }
0x84: {  	_ =	shalt  }
0x85: {  	_ =	shalt  }
0x86: {  	_ =	shalt  }
0x87: {  	_ =	shalt  }
.Lfunc_end0:
.L_simem_size_0:
called_computation.2_lowered:
.L_overlay_start_0:
0x88: {  	s2 =	sld [smem:$0x3FD9]  }
0x89: {  	s3 =	sld [smem:$0x3FFE];
	_ =	sdelay $0x1  }
0x8a: {  	s1 =	srdreg.scid  }
0x8b: {  	s0 =	sand.u32 $0x1, s1  }
0x8c: {  	s15 =	sshll.u32 s0, $0xA;
	s2 =	sadd.s32 s3, s2  }
0x8d: {  	s2 =	sadd.s32 s2, s15  }
0x8e: {  	[smem:$0x3FC6] =	sst s2  }
0x8f: {  	_ = 	snop  }
0x90: {  	s2 =	sld [smem:$0x3FD0];
	_ =	sdelay $0x2  }
0x91: {  	s4 =	simm.s32 $0xA;
	s5 =	simm.s32 $0x10;
	s16 =	sld [smem:$0x3FC8]  }
0x92: {  	[smem:s5], [sflag:s4] =	dma.local [hbm:s2], $0x1  }
0x93: {  	_ =	swait.eq [sflag:s4], $0x1  }
0x94: {  	[sflag:s4] =	ssyncset.done $0x0  }
0x95: {  	s17 =	sld [smem:$0x10];
	[sflag:s4] =	ssyncadd.s32 $0xFFFFFFFF  }
0x96: {  	s18 =	sld [smem:$0x11];
	(tm) =	ssettm $0x1  }
0x97: {  	s19 =	sld [smem:$0x3FFB];
	_ =	sdelay $0x3  }
0x98: {  	_ =	strace s19  }
0x99: {  	s5 =	sld [smem:$0x3FFC];
	_ =	sdelay $0x3  }
0x9a: {  	_ =	strace s5  }
0x9b: {  	s5 =	sld [smem:$0x3FFD];
	_ =	sdelay $0x3  }
0x9c: {  	_ =	strace s5  }
0x9d: {  	_ =	strace $0x8FFFFFFF  }
0x9e: {  	s20 =	sld [smem:$0x3FDB];
	_ =	sdelay $0x1  }
0x9f: {  	s6 =	simm.s32 $_scs_section_size  }
0xa0: {  	s7 =	simm.s32 $_size__tile_overlayer_lowered;
	s8 =	simm.s32 $_tile_overlayer_lowered  }
0xa1: {  	s23 =	simm.s32 $0x1BFF;
	s22 =	sshll.u32 s8, $0x1;
	s5 =	sadd.s32 s6, s20  }
0xa2: {  	s9 =	simm.s32 $0x0;
	s21 =	sshll.u32 s7, $0x1;
	s7 =	sadd.s32 s22, s5  }
0xa3: {  	[timem:s9], [sflag:s23] =	dma.local [hbm:s7], s21  }
0xa4: {  	_ =	swait.ge [sflag:s23], s21  }
0xa5: {  	s6 =	ssub.s32 $0x0, s21;
	[sflag:s23] =	ssyncset.done $0x0  }
0xa6: {  	[sflag:s23] =	ssyncadd.s32 s6;
	_ =	sdelay $0x1  }
0xa7: {  	s24 =	simm.s32 $0x1B8B  }
0xa8: {  	_ =	swait.ge [sflag:s24], $0x1  }
0xa9: {  	[sflag:s24] =	ssyncset.done $0x0  }
0xaa: {  	s25 =	simm.s32 $0x1B8E;
	[sflag:s24] =	ssyncadd.s32 $0xFFFFFFFF  }
0xab: {  	s26 =	simm.s32 $execute0_lowered;
	[smem:$0x3FD2] =	sst s25  }
0xac: {  	s6 =	sshll.u32 s26, $0x1;
	_ =	strace $0x8000004C;
	[dreg:$0x1] =	wrdreg $0xFFFFFFFF  }
0xad: {  	s28 =	simm.s32 $_size_execute0_lowered;
	s5 =	sadd.s32 s5, s6;
	[dreg:$0x0] =	wrdreg $0x0  }
0xae: {  	s6 =	sshll.u32 s28, $0x1;
	[dreg:$0x2] =	wrdreg s5  }
0xaf: {  	[dreg:$0x3] =	wrdreg s6  }
0xb0: {  	[dreg:$0x4] =	wrdreg $0xC0  }
0xb1: {  	_ =	task [dreg:s9], $0x5FFFF  }
0xb2: {  	[dreg:$0x1] =	wrdreg $0xFFFFFFFF  }
0xb3: {  	[dreg:$0x0] =	wrdreg $0x60  }
0xb4: {  	[dreg:$0x2] =	wrdreg s18  }
0xb5: {  	[dreg:$0x3] =	wrdreg s16  }
0xb6: {  	[dreg:$0x4] =	wrdreg s17  }
0xb7: {  	[dreg:$0x5] =	wrdreg $0x9  }
0xb8: {  	_ =	task.clear_ibuf [dreg:s9], $0x6FFFF;
	_ =	strace $0x9000004C  }
0xb9: {  	s29 =	simm.s32 $0x9;
	_ =	strace $0x8000004E  }
0xba: {  	_ =	swait.ge [sflag:s29], $0x1  }
0xbb: {  	[sflag:s29] =	ssyncadd.s32 $0xFFFFFFFF  }
0xbc: {  	_ =	strace $0x9000004E  }
0xbd: {  	_ =	sfence  }
0xbe: {  	s30 =	sld [smem:$0x0];
	_ =	sdelay $0x2  }
0xbf: {  	s31 =	sshll.u32 s1, $0xD;
	s1 =	sshrl.u32 s1, $0x2  }
0xc0: {  	s3 =	sand.u32 $0x4000, s31;
	s1 =	sadd.s32 s1, s30  }
0xc1: {  	s0 =	sor.u32 s3, s0;
	s1 =	sshll.u32 s1, $0x11  }
0xc2: {  	s0 =	sor.u32 s1, s0  }
0xc3: {  	s0 =	sadd.s32 $0x8F2B, s0  }
0xc4: {  	[sflag:s0] =	ssyncadd.remote.s32 $0x1  }
0xc5: {  	_ =	sfence.sel $0xFFFF  }
0xc6: {  	[dreg:$0x0] =	wrdreg $0xFFFFFFFF;
	(pc) =	sbr.abs _section_cstart, $3  }
0xc7: {  	[dreg:$0x1] =	wrdreg $0xFFFFFFFF  }
0xc8: {  	_ =	task.clear_ibuf [dreg:s9], $0x2FFFF;
	_ =	strace $0x9FFFFFFF  }
0xc9: {  	(tm) =	ssettm $0x7FFFFFFF  }
tec
execute0_lowered:
.L_overlay_start_1:
0x0: {  	(tag) =	ssettag $0x1  }
0x1: {  	s4 =	rddreg [dreg:$0x0];
	s1 =	srdreg.scid  }
0x2: {  	s2 =	rddreg [dreg:$0x1];
	s0 =	stileid.u32  }
0x3: {  	s6 =	rddreg [dreg:$0x2];
	s3 =	simm.s32 $0x0;
	s10 =	simm.s32 $0x880  }
0x4: {  	s11 =	simm.s32 $0xC80;
	s12 =	simm.s32 $0x1480;
	s13 =	simm.s32 $0x1880  }
0x5: {  	s14 =	simm.s32 $0x2080;
	s15 =	simm.s32 $0x2480;
	s16 =	simm.s32 $0x2C80  }
0x6: {  	s17 =	simm.s32 $0x3080;
	s18 =	simm.s32 $0x3880;
	s19 =	simm.s32 $0x3C80  }
0x7: {  	s20 =	simm.s32 $0x4480;
	s21 =	simm.s32 $0x4880;
	s22 =	simm.s32 $0x5080  }
0x8: {  	s23 =	simm.s32 $0x5480;
	s24 =	simm.s32 $0x5C80;
	s5 =	sand.u32 $0x1, s1  }
0x9: {  	s25 =	simm.s32 $0x1;
	s7 =	sshll.u32 s0, $0x4;
	s8 =	sshll.u32 s5, $0x3  }
0xa: {  	s1 =	rddreg [dreg:$0x3];
	s5 =	ssub.s32 $0x2, s5;
	s7 =	sor.u32 s8, s7  }
0xb: {  	[smem:$0x7FF] =	sst s3;
	s9 =	sshrl.u32 s5, $0x1;
	s8 =	smul.u32 $0x180, s7  }
0xc: {  	v2 =	vlaneseq.u32;
	_ =	strace $0x8000004D;
	s9 =	ssub.s32 s5, s9;
	s4 =	sadd.s32 s4, s7  }
0xd: {  	vm0 =	vmmov $0xffff;
	vm1 =	vmmov $0xff;
	v1 =	vshrl.u32 v2, $0x3;
	s5 =	sadd.s32 $0x100, s2;
	s7 =	smax.u32 s9, $0x1;
	s6 =	sadd.s32 s8, s6  }
0xe: {  	v0 =	vand.u32 $0x7, v2;
	v2 =	vor.u32 $0x8, v2;
	v1 =	vmul.u32 $0x8, v1;
	s9 =	simm.s32 $0x80;
	s8 =	simm.s32 $0x2;
	s6 =	sadd.s32 $0x30000, s6  }
.LBB2_1:
0xf: {  	[tilespmem:s3], [sflag:$0x2] =	stream.linear.gather [hbm4b:s4+s3], $0x40, $0x38;
	[tilespmem:$0x6080] =	vst v63  }
0x10: {  	_ =	swait.ge [sflag:s8], $0x40  }
0x11: {  	[sflag:s8] =	ssyncset.done $0x0  }
0x12: {  	[sflag:s8] =	ssyncadd.s32 $0xFFFFFFC0  }
0x13: {  	v3 =	vld [tilespmem:$0x0];
	_ =	sdelay $0x4  }
0x14: {  	v4 =	vshrl.u32 v3, $0x3  }
0x15: {  	v4 =	vmul.u32 $0x18, v4  }
0x16: {  	v3 =	vand.u32 $0x7, v3  }
0x17: {  	v3 =	vor.u32 v3, v4  }
0x18: {  	v4 =	vperm.xlane v3, v0;
	_ =	sdelay $0x1  }
0x19: {  	v4 =	vadd.s32 v1, v4;
	_ =	sdelay $0x1  }
0x1a: {  	v3 =	vperm.xlane v3, v2;
	_ =	sdelay $0x1  }
0x1b: {  	v3 =	vadd.s32 v1, v3  }
0x1c: {  	[tilespmem:s9], [sflag:$0x1] =	stream.indirect_vreg.gather [hbm4b:s2+s3], $0x80, v4, vm0, $0xb8;
	[tilespmem:$0x6080] =	vst v63  }
0x1d: {  	_ = 	snop  }
0x1e: {  	[tilespmem:s10], [sflag:$0x1] =	stream.indirect_vreg.gather [hbm4b:s5+s3], $0x80, v4, vm1, $0xb8;
	[tilespmem:$0x6080] =	vst v63  }
0x1f: {  	_ = 	snop  }
0x20: {  	[tilespmem:s11], [sflag:$0x1] =	stream.indirect_vreg.gather [hbm4b:s2+s3], $0x80, v3, vm0, $0xb8;
	[tilespmem:$0x6080] =	vst v63  }
0x21: {  	_ = 	snop  }
0x22: {  	[tilespmem:s12], [sflag:$0x1] =	stream.indirect_vreg.gather [hbm4b:s5+s3], $0x80, v3, vm1, $0xb8;
	[tilespmem:$0x6080] =	vst v63  }
0x23: {  	v3 =	vld [tilespmem:$0x10];
	_ =	sdelay $0x4  }
0x24: {  	v61 =	vshrl.u32 v3, $0x3  }
0x25: {  	v4 =	vmul.u32 $0x18, v61  }
0x26: {  	v3 =	vand.u32 $0x7, v3  }
0x27: {  	v3 =	vor.u32 v3, v4  }
0x28: {  	v4 =	vperm.xlane v3, v0;
	_ =	sdelay $0x1  }
0x29: {  	v4 =	vadd.s32 v1, v4;
	_ =	sdelay $0x1  }
0x2a: {  	v3 =	vperm.xlane v3, v2;
	_ =	sdelay $0x1  }
0x2b: {  	v3 =	vadd.s32 v1, v3  }
0x2c: {  	[tilespmem:s13], [sflag:$0x1] =	stream.indirect_vreg.gather [hbm4b:s2+s3], $0x80, v4, vm0, $0xb8;
	[tilespmem:$0x6080] =	vst v63  }
0x2d: {  	_ = 	snop  }
0x2e: {  	[tilespmem:s14], [sflag:$0x1] =	stream.indirect_vreg.gather [hbm4b:s5+s3], $0x80, v4, vm1, $0xb8;
	[tilespmem:$0x6080] =	vst v63  }
0x2f: {  	_ = 	snop  }
0x30: {  	[tilespmem:s15], [sflag:$0x1] =	stream.indirect_vreg.gather [hbm4b:s2+s3], $0x80, v3, vm0, $0xb8;
	[tilespmem:$0x6080] =	vst v63  }
0x31: {  	_ = 	snop  }
0x32: {  	[tilespmem:s16], [sflag:$0x1] =	stream.indirect_vreg.gather [hbm4b:s5+s3], $0x80, v3, vm1, $0xb8;
	[tilespmem:$0x6080] =	vst v63  }
0x33: {  	v3 =	vld [tilespmem:$0x20];
	_ =	sdelay $0x4  }
0x34: {  	v62 =	vshrl.u32 v3, $0x3  }
0x35: {  	v4 =	vmul.u32 $0x18, v62  }
0x36: {  	v3 =	vand.u32 $0x7, v3  }
0x37: {  	v3 =	vor.u32 v3, v4  }
0x38: {  	v4 =	vperm.xlane v3, v0;
	_ =	sdelay $0x1  }
0x39: {  	v4 =	vadd.s32 v1, v4;
	_ =	sdelay $0x1  }
0x3a: {  	v3 =	vperm.xlane v3, v2;
	_ =	sdelay $0x1  }
0x3b: {  	v3 =	vadd.s32 v1, v3  }
0x3c: {  	[tilespmem:s17], [sflag:$0x1] =	stream.indirect_vreg.gather [hbm4b:s2+s3], $0x80, v4, vm0, $0xb8;
	[tilespmem:$0x6080] =	vst v63  }
0x3d: {  	_ = 	snop  }
0x3e: {  	[tilespmem:s18], [sflag:$0x1] =	stream.indirect_vreg.gather [hbm4b:s5+s3], $0x80, v4, vm1, $0xb8;
	[tilespmem:$0x6080] =	vst v63  }
0x3f: {  	_ = 	snop  }
0x40: {  	[tilespmem:s19], [sflag:$0x1] =	stream.indirect_vreg.gather [hbm4b:s2+s3], $0x80, v3, vm0, $0xb8;
	[tilespmem:$0x6080] =	vst v63  }
0x41: {  	_ = 	snop  }
0x42: {  	[tilespmem:s20], [sflag:$0x1] =	stream.indirect_vreg.gather [hbm4b:s5+s3], $0x80, v3, vm1, $0xb8;
	[tilespmem:$0x6080] =	vst v63  }
0x43: {  	v3 =	vld [tilespmem:$0x30];
	_ =	sdelay $0x4  }
0x44: {  	v63 =	vshrl.u32 v3, $0x3  }
0x45: {  	v4 =	vmul.u32 $0x18, v63  }
0x46: {  	v3 =	vand.u32 $0x7, v3  }
0x47: {  	v3 =	vor.u32 v3, v4  }
0x48: {  	v4 =	vperm.xlane v3, v0;
	_ =	sdelay $0x1  }
0x49: {  	v4 =	vadd.s32 v1, v4;
	_ =	sdelay $0x1  }
0x4a: {  	v3 =	vperm.xlane v3, v2;
	_ =	sdelay $0x1  }
0x4b: {  	v3 =	vadd.s32 v1, v3  }
0x4c: {  	[tilespmem:s21], [sflag:$0x1] =	stream.indirect_vreg.gather [hbm4b:s2+s3], $0x80, v4, vm0, $0xb8;
	[tilespmem:$0x6080] =	vst v63  }
0x4d: {  	_ = 	snop  }
0x4e: {  	[tilespmem:s22], [sflag:$0x1] =	stream.indirect_vreg.gather [hbm4b:s5+s3], $0x80, v4, vm1, $0xb8;
	[tilespmem:$0x6080] =	vst v63  }
0x4f: {  	_ = 	snop  }
0x50: {  	[tilespmem:s23], [sflag:$0x1] =	stream.indirect_vreg.gather [hbm4b:s2+s3], $0x80, v3, vm0, $0xb8;
	[tilespmem:$0x6080] =	vst v63  }
0x51: {  	_ = 	snop  }
0x52: {  	[tilespmem:s24], [sflag:$0x1] =	stream.indirect_vreg.gather [hbm4b:s5+s3], $0x80, v3, vm1, $0xb8;
	[tilespmem:$0x6080] =	vst v63  }
0x53: {  	_ =	swait.ge [sflag:s25], $0x6000  }
0x54: {  	p0 =	sne.s32 s7, $0x1;
	[sflag:s25] =	ssyncset.done $0x0  }
.Ltmp0:
0x55: {  	[sflag:s25] =	ssyncadd.s32 $0xFFFFA000;
	(pc) =	sbr.rel @p0 .LBB2_1-.Ltmp0, $4  }
0x56: {  	[hbm4b:s6+s3] =	stream.linear.scatter [tilespmem:s9], [sflag:$0x2], $0x6000, $0x38;
	[tilespmem:$0x6080] =	vst v63  }
0x57: {  	_ =	swait.ge [sflag:s8], $0x6000  }
0x58: {  	[sflag:s8] =	ssyncset.done $0x0  }
0x59: {  	s7 =	sadd.s32 $0xFFFFFFFF, s7;
	[sflag:s8] =	ssyncadd.s32 $0xFFFFA000  }
0x5a: {  	_ =	sfence.sel $0x180000  }
0x5b: {  	[bflag:$0x0] =	sbarrier.arrive $0xFFFF  }
0x5c: {  	p0 =	sne.s32 s0, $0x0;
	_ =	strace $0x9000004D  }
0x5d: {  	s0 =	sadd.s32 @!p0 $0x100000, s1;
	[bflag:$0x2] =	sbarrier.arrive $0xFFFF  }
0x5e: {  	[sflag:s0] =	ssyncadd.tile.s32 @!p0 $0x1;
	_ =	shalt  }
.Lfunc_end2:
_tile_overlayer_lowered:
.L_overlay_start_2:
0x5f: {  	(tag) =	ssettag $0x2  }
0x60: {  	s0 =	rddreg [dreg:$0x0];
	s2 =	stileid.u32  }
0x61: {  	s1 =	rddreg [dreg:$0x1];
	p0 =	sne.s32 s2, $0x0  }
0x62: {  	s3 =	rddreg [dreg:$0x2];
	[bflag:$0x3] =	sbarrier.arrive $0xFFFF;
	s2 =	simm.s32 @!p0 $0x1C02  }
0x63: {  	[timem:s3], [sflag:s2] =	dma.local @!p0 [hbm:s0], s1  }
0x64: {  	s0 =	simm.s32 @!p0 $0x2  }
0x65: {  	_ =	swait.ge @!p0 [sflag:s0], s1  }
0x66: {  	s1 =	ssub.s32 @!p0 $0x0, s1;
	[sflag:s0] =	ssyncset.done @!p0 $0x0  }
0x67: {  	[sflag:s0] =	ssyncadd.s32 @!p0 s1  }
0x68: {  	[bflag:$0x3] =	sbarrier.arrive $0xFFFF  }
0x69: {  	_ =	shalt  }

// kernel: kernel.19.cloned.1.call-start
scs
__scs_entry_jumppad:
0x0: {  	(pc) =	sbr.rel $0x88, $3  }
0x1: {  	(tag) =	ssettag $0x0;
	lr =	simm.s32 $0x1  }
0x2: {  	[smem:$0x3F9F] =	sst lr;
	_ =	strace $0xD0000000  }
0x3: {  	_ = 	snop  }
0x4: {  	_ = 	snop  }
0x5: {  	_ = 	snop  }
0x6: {  	_ = 	snop  }
0x7: {  	_ = 	snop  }
__scs_overlays_trampoline_lowered:
0x8: {  	[smem:$0x3FAE] =	sst s0  }
0x9: {  	[smem:$0x3FAF] =	sst s1  }
0xa: {  	[smem:$0x3FB0] =	sst s2  }
0xb: {  	[smem:$0x3FB1] =	sst s3  }
0xc: {  	[smem:$0x3FB2] =	sst s4  }
0xd: {  	[smem:$0x3FB3] =	sst s5  }
0xe: {  	[smem:$0x3FB4] =	sst s6  }
0xf: {  	[smem:$0x3FB5] =	sst s7  }
0x10: {  	[smem:$0x3FB6] =	sst s8  }
0x11: {  	[smem:$0x3FB7] =	sst s9;
	s0 =	simm.s32 @!p0 $0x0  }
0x12: {  	s1 =	sld [smem:$0x3F9D];
	s0 =	simm.s32 @p0 $0x1  }
0x13: {  	[smem:$0x3FB8] =	sst s0;
	s0 =	simm.s32 @!p1 $0x0  }
0x14: {  	s2 =	sld [smem:$0x3F9C];
	s0 =	simm.s32 @p1 $0x1  }
0x15: {  	[smem:$0x3FB9] =	sst s0;
	s0 =	simm.s32 @!p2 $0x0  }
0x16: {  	s3 =	sld [smem:$0x3FDB];
	s0 =	simm.s32 @p2 $0x1  }
0x17: {  	s4 =	simm.s32 $0x1BF5;
	[smem:$0x3FBB] =	sst s0  }
0x18: {  	s0 =	sld [smem:$0x3F9E];
	_ =	swait.ge [sflag:s4], $0x0  }
0x19: {  	s7 =	sld [smem:$0x3F9F]  }
0x1a: {  	s8 =	sadd.s32 $0xFFFFE003, lr  }
0x1b: {  	s9 =	sadd.s32 $0xFFFFFEF7, lr;
	s5 =	simm.s32 $0xFFFFFFFF;
	p2 =	slt.u32 s8, $0xFFFFF086  }
0x1c: {  	p1 =	slt.u32 s9, $0xF7A;
	s5 =	simm.s32 @!p2 $0x0  }
0x1d: {  	s5 =	simm.s32 @p1 $0x1;
	p0 =	seq.s32 s7, s2  }
0x1e: {  	s7 =	smul.u32 @!p0 $0xF7A, s2;
	p2 =	seq.s32 @!p0 s5, $0x0  }
0x1f: {  	s9 =	smul.u32 $0xF7A, s1;
	s8 =	simm.s32 @!p0 $0x1BF5;
	p2 =	por !p2, p0  }
0x20: {  	[sflag:s8] =	ssyncset.s32 @!p0 $0xFFFFF086;
	s6 =	sadd.s32 @!p0 s3, s7;
	s7 =	simm.s32 @!p0 $0x108  }
0x21: {  	s3 =	sadd.s32 s3, s9;
	s6 =	sadd.s32 @!p0 $0x88, s6;
	s7 =	simm.s32 @p2 $0x1082  }
0x22: {  	[simem:s7], [sflag:s8] =	dma.local @!p0 [hbm:s6], $0xF7A  }
0x23: {  	s9 =	sor.u32 $0xD0000000, s2;
	s6 =	simm.s32 $0x108;
	_ =	swait.ge @!p0 [sflag:s8], $0x0  }
0x24: {  	s3 =	sadd.s32 $0x88, s3;
	s6 =	simm.s32 @!p1 $0x1082;
	[sflag:s4] =	ssyncset.s32 $0xFFFFF086  }
0x25: {  	[simem:s6], [sflag:s4] =	dma.local [hbm:s3], $0xF7A  }
0x26: {  	[smem:$0x3F9F] =	sst s1;
	(tag) =	ssettag s2;
	_ =	strace s9  }
0x27: {  	s1 =	sld [smem:$0x3FAF]  }
0x28: {  	s2 =	sld [smem:$0x3FB0]  }
0x29: {  	s4 =	sld [smem:$0x3FB2]  }
0x2a: {  	p0 =	seq.s32 s5, $0x0;
	s5 =	sld [smem:$0x3FB3]  }
0x2b: {  	s6 =	sld [smem:$0x3FB4]  }
0x2c: {  	s7 =	sld [smem:$0x3FB5]  }
0x2d: {  	s3 =	simm.s32 $0x108;
	s8 =	sld [smem:$0x3FB6]  }
0x2e: {  	s3 =	simm.s32 @!p0 $0x1082;
	s9 =	sld [smem:$0x3FB7]  }
0x2f: {  	lr =	sadd.s32 s0, s3;
	s0 =	sld [smem:$0x3FAE]  }
0x30: {  	s3 =	sld [smem:$0x3FB1]  }
0x31: {  	[smem:$0x3FBA] =	sst s10  }
0x32: {  	s10 =	sld [smem:$0x3FB8];
	_ =	sdelay $0x3  }
0x33: {  	p0 =	seq.s32 s10, $0x1;
	s10 =	sld [smem:$0x3FBA];
	_ =	sdelay $0x3  }
0x34: {  	[smem:$0x3FBA] =	sst s10  }
0x35: {  	s10 =	sld [smem:$0x3FB9];
	_ =	sdelay $0x3  }
0x36: {  	p1 =	seq.s32 s10, $0x1;
	s10 =	sld [smem:$0x3FBA];
	_ =	sdelay $0x3  }
0x37: {  	[smem:$0x3FBA] =	sst s10  }
0x38: {  	s10 =	sld [smem:$0x3FBB]  }
0x39: {  	_ = 	snop;
	(pc) =	sbr.ind lr, $3  }
0x3a: {  	_ = 	snop  }
0x3b: {  	_ = 	snop  }
0x3c: {  	p2 =	seq.s32 s10, $0x1;
	s10 =	sld [smem:$0x3FBA]  }
0x3d: {  	_ =	shalt  }
0x3e: {  	_ =	shalt  }
0x3f: {  	_ =	shalt  }
0x40: {  	_ =	shalt  }
0x41: {  	_ =	shalt  }
0x42: {  	_ =	shalt  }
0x43: {  	_ =	shalt  }
0x44: {  	_ =	shalt  }
0x45: {  	_ =	shalt  }
0x46: {  	_ =	shalt  }
0x47: {  	_ =	shalt  }
0x48: {  	_ =	shalt  }
0x49: {  	_ =	shalt  }
0x4a: {  	_ =	shalt  }
0x4b: {  	_ =	shalt  }
0x4c: {  	_ =	shalt  }
0x4d: {  	_ =	shalt  }
0x4e: {  	_ =	shalt  }
0x4f: {  	_ =	shalt  }
0x50: {  	_ =	shalt  }
0x51: {  	_ =	shalt  }
0x52: {  	_ =	shalt  }
0x53: {  	_ =	shalt  }
0x54: {  	_ =	shalt  }
0x55: {  	_ =	shalt  }
0x56: {  	_ =	shalt  }
0x57: {  	_ =	shalt  }
0x58: {  	_ =	shalt  }
0x59: {  	_ =	shalt  }
0x5a: {  	_ =	shalt  }
0x5b: {  	_ =	shalt  }
0x5c: {  	_ =	shalt  }
0x5d: {  	_ =	shalt  }
0x5e: {  	_ =	shalt  }
0x5f: {  	_ =	shalt  }
0x60: {  	_ =	shalt  }
0x61: {  	_ =	shalt  }
0x62: {  	_ =	shalt  }
0x63: {  	_ =	shalt  }
0x64: {  	_ =	shalt  }
0x65: {  	_ =	shalt  }
0x66: {  	_ =	shalt  }
0x67: {  	_ =	shalt  }
0x68: {  	_ =	shalt  }
0x69: {  	_ =	shalt  }
0x6a: {  	_ =	shalt  }
0x6b: {  	_ =	shalt  }
0x6c: {  	_ =	shalt  }
0x6d: {  	_ =	shalt  }
0x6e: {  	_ =	shalt  }
0x6f: {  	_ =	shalt  }
0x70: {  	_ =	shalt  }
0x71: {  	_ =	shalt  }
0x72: {  	_ =	shalt  }
0x73: {  	_ =	shalt  }
0x74: {  	_ =	shalt  }
0x75: {  	_ =	shalt  }
0x76: {  	_ =	shalt  }
0x77: {  	_ =	shalt  }
0x78: {  	_ =	shalt  }
0x79: {  	_ =	shalt  }
0x7a: {  	_ =	shalt  }
0x7b: {  	_ =	shalt  }
0x7c: {  	_ =	shalt  }
0x7d: {  	_ =	shalt  }
0x7e: {  	_ =	shalt  }
0x7f: {  	_ =	shalt  }
0x80: {  	_ =	shalt  }
0x81: {  	_ =	shalt  }
0x82: {  	_ =	shalt  }
0x83: {  	_ =	shalt  }
0x84: {  	_ =	shalt  }
0x85: {  	_ =	shalt  }
0x86: {  	_ =	shalt  }
0x87: {  	_ =	shalt  }
.Lfunc_end0:
.L_simem_size_0:
called_computation.3_lowered:
.L_overlay_start_0:
0x88: {  	s2 =	sld [smem:$0x3FD9]  }
0x89: {  	s3 =	sld [smem:$0x3FFE];
	_ =	sdelay $0x1  }
0x8a: {  	s1 =	srdreg.scid  }
0x8b: {  	s0 =	sand.u32 $0x1, s1  }
0x8c: {  	s14 =	sshll.u32 s0, $0xA;
	s2 =	sadd.s32 s3, s2  }
0x8d: {  	s2 =	sadd.s32 s2, s14  }
0x8e: {  	[smem:$0x3FC6] =	sst s2  }
0x8f: {  	_ = 	snop  }
0x90: {  	s2 =	sld [smem:$0x3FD0];
	_ =	sdelay $0x2  }
0x91: {  	s4 =	simm.s32 $0xA;
	s5 =	simm.s32 $0x10;
	s15 =	sld [smem:$0x3FC8]  }
0x92: {  	[smem:s5], [sflag:s4] =	dma.local [hbm:s2], $0x1  }
0x93: {  	_ =	swait.eq [sflag:s4], $0x1  }
0x94: {  	[sflag:s4] =	ssyncset.done $0x0  }
0x95: {  	[sflag:s4] =	ssyncadd.s32 $0xFFFFFFFF  }
0x96: {  	s16 =	sld [smem:$0x10];
	(tm) =	ssettm $0x1  }
0x97: {  	s17 =	sld [smem:$0x3FFB];
	_ =	sdelay $0x3  }
0x98: {  	_ =	strace s17  }
0x99: {  	s4 =	sld [smem:$0x3FFC];
	_ =	sdelay $0x3  }
0x9a: {  	_ =	strace s4  }
0x9b: {  	s4 =	sld [smem:$0x3FFD];
	_ =	sdelay $0x3  }
0x9c: {  	_ =	strace s4  }
0x9d: {  	_ =	strace $0x8FFFFFFF  }
0x9e: {  	s18 =	sld [smem:$0x3FDB];
	_ =	sdelay $0x1  }
0x9f: {  	s19 =	simm.s32 $_scs_section_size  }
0xa0: {  	s6 =	simm.s32 $_size__tile_overlayer_lowered;
	s7 =	simm.s32 $_tile_overlayer_lowered  }
0xa1: {  	s22 =	simm.s32 $0x1BFF;
	s21 =	sshll.u32 s7, $0x1;
	s4 =	sadd.s32 s19, s18  }
0xa2: {  	s8 =	simm.s32 $0x0;
	s20 =	sshll.u32 s6, $0x1;
	s6 =	sadd.s32 s21, s4  }
0xa3: {  	[timem:s8], [sflag:s22] =	dma.local [hbm:s6], s20  }
0xa4: {  	_ =	swait.ge [sflag:s22], s20  }
0xa5: {  	s5 =	ssub.s32 $0x0, s20;
	[sflag:s22] =	ssyncset.done $0x0  }
0xa6: {  	[sflag:s22] =	ssyncadd.s32 s5;
	_ =	sdelay $0x1  }
0xa7: {  	s23 =	simm.s32 $0x1B8B  }
0xa8: {  	_ =	swait.ge [sflag:s23], $0x1  }
0xa9: {  	[sflag:s23] =	ssyncset.done $0x0  }
0xaa: {  	s25 =	simm.s32 $0x1B8E;
	s24 =	sld [smem:$0x3FFE];
	[sflag:s23] =	ssyncadd.s32 $0xFFFFFFFF  }
0xab: {  	s26 =	simm.s32 $execute0_lowered;
	[smem:$0x3FD2] =	sst s25  }
0xac: {  	s6 =	sshll.u32 s26, $0x1;
	_ =	strace $0x8000004F;
	[dreg:$0x1] =	wrdreg $0xFFFFFFFF  }
0xad: {  	s28 =	simm.s32 $_size_execute0_lowered;
	s4 =	sadd.s32 s4, s6;
	[dreg:$0x0] =	wrdreg $0x0  }
0xae: {  	s6 =	sshll.u32 s28, $0x1;
	[dreg:$0x2] =	wrdreg s4  }
0xaf: {  	[dreg:$0x3] =	wrdreg s6  }
0xb0: {  	[dreg:$0x4] =	wrdreg $0xC0  }
0xb1: {  	_ =	task [dreg:s8], $0x5FFFF  }
0xb2: {  	[dreg:$0x1] =	wrdreg $0xFFFFFFFF  }
0xb3: {  	[dreg:$0x0] =	wrdreg $0x60  }
0xb4: {  	[dreg:$0x2] =	wrdreg s24  }
0xb5: {  	[dreg:$0x3] =	wrdreg s15  }
0xb6: {  	[dreg:$0x4] =	wrdreg s16  }
0xb7: {  	[dreg:$0x5] =	wrdreg $0x9  }
0xb8: {  	_ =	task.clear_ibuf [dreg:s8], $0x6FFFF;
	_ =	strace $0x9000004F  }
0xb9: {  	s29 =	simm.s32 $0x9;
	_ =	strace $0x80000051  }
0xba: {  	_ =	swait.ge [sflag:s29], $0x1  }
0xbb: {  	[sflag:s29] =	ssyncadd.s32 $0xFFFFFFFF  }
0xbc: {  	_ =	strace $0x90000051  }
0xbd: {  	_ =	sfence  }
0xbe: {  	s30 =	sld [smem:$0x0];
	_ =	sdelay $0x2  }
0xbf: {  	s31 =	sshll.u32 s1, $0xD;
	s1 =	sshrl.u32 s1, $0x2  }
0xc0: {  	s3 =	sand.u32 $0x4000, s31;
	s1 =	sadd.s32 s1, s30  }
0xc1: {  	s0 =	sor.u32 s3, s0;
	s1 =	sshll.u32 s1, $0x11  }
0xc2: {  	s0 =	sor.u32 s1, s0  }
0xc3: {  	s0 =	sadd.s32 $0x8F2B, s0  }
0xc4: {  	[sflag:s0] =	ssyncadd.remote.s32 $0x1  }
0xc5: {  	_ =	sfence.sel $0xFFFF  }
0xc6: {  	[dreg:$0x0] =	wrdreg $0xFFFFFFFF;
	(pc) =	sbr.abs _section_cstart, $3  }
0xc7: {  	[dreg:$0x1] =	wrdreg $0xFFFFFFFF  }
0xc8: {  	_ =	task.clear_ibuf [dreg:s8], $0x2FFFF;
	_ =	strace $0x9FFFFFFF  }
0xc9: {  	(tm) =	ssettm $0x7FFFFFFF  }
tec
execute0_lowered:
.L_overlay_start_1:
0x0: {  	(tag) =	ssettag $0x1  }
0x1: {  	s4 =	rddreg [dreg:$0x0]  }
0x2: {  	s1 =	srdreg.scid;
	s2 =	rddreg [dreg:$0x1]  }
0x3: {  	s0 =	stileid.u32;
	s6 =	rddreg [dreg:$0x2]  }
0x4: {  	s3 =	simm.s32 $0x0;
	s9 =	simm.s32 $0x80;
	s10 =	simm.s32 $0x880  }
0x5: {  	s11 =	simm.s32 $0xC80;
	s12 =	simm.s32 $0x1480;
	s13 =	simm.s32 $0x1880  }
0x6: {  	s14 =	simm.s32 $0x2080;
	s15 =	simm.s32 $0x2480;
	s16 =	simm.s32 $0x2C80  }
0x7: {  	s17 =	simm.s32 $0x3080;
	s18 =	simm.s32 $0x3880;
	s19 =	simm.s32 $0x3C80  }
0x8: {  	s20 =	simm.s32 $0x4480;
	s21 =	simm.s32 $0x4880;
	s22 =	simm.s32 $0x5080  }
0x9: {  	s23 =	simm.s32 $0x5480;
	s24 =	simm.s32 $0x5C80;
	s5 =	sand.u32 $0x1, s1  }
0xa: {  	s25 =	simm.s32 $0x1;
	s7 =	sshll.u32 s0, $0x4;
	s8 =	sshll.u32 s5, $0x3  }
0xb: {  	s1 =	rddreg [dreg:$0x3];
	s5 =	ssub.s32 $0x2, s5;
	s7 =	sor.u32 s8, s7  }
0xc: {  	[smem:$0x7FF] =	sst s3;
	s31 =	sshrl.u32 s5, $0x1;
	s8 =	smul.u32 $0x180, s7  }
0xd: {  	v2 =	vlaneseq.u32;
	_ =	strace $0x80000050;
	s4 =	sadd.s32 s7, s4;
	s7 =	ssub.s32 s5, s31  }
0xe: {  	vm0 =	vmmov $0xffff;
	vm1 =	vmmov $0xff;
	v1 =	vshrl.u32 v2, $0x3;
	s5 =	sadd.s32 $0x100, s2;
	s4 =	sadd.s32 $0x1E00, s4;
	s6 =	sadd.s32 s8, s6  }
0xf: {  	v0 =	vand.u32 $0x7, v2;
	v2 =	vor.u32 $0x8, v2;
	v1 =	vmul.u32 $0x8, v1;
	s7 =	smax.u32 s7, $0x1;
	s8 =	simm.s32 $0x2;
	s6 =	sadd.s32 $0x48000, s6  }
.LBB2_1:
0x10: {  	[tilespmem:s3], [sflag:$0x2] =	stream.linear.gather [hbm4b:s4+s3], $0x40, $0x38;
	[tilespmem:$0x6080] =	vst v63  }
0x11: {  	_ =	swait.ge [sflag:s8], $0x40  }
0x12: {  	[sflag:s8] =	ssyncset.done $0x0  }
0x13: {  	[sflag:s8] =	ssyncadd.s32 $0xFFFFFFC0  }
0x14: {  	v3 =	vld [tilespmem:$0x0];
	_ =	sdelay $0x4  }
0x15: {  	v4 =	vshrl.u32 v3, $0x3  }
0x16: {  	v4 =	vmul.u32 $0x18, v4  }
0x17: {  	v3 =	vand.u32 $0x7, v3  }
0x18: {  	v3 =	vor.u32 v3, v4  }
0x19: {  	v4 =	vperm.xlane v3, v0;
	_ =	sdelay $0x1  }
0x1a: {  	v4 =	vadd.s32 v1, v4;
	_ =	sdelay $0x1  }
0x1b: {  	v3 =	vperm.xlane v3, v2;
	_ =	sdelay $0x1  }
0x1c: {  	v3 =	vadd.s32 v1, v3  }
0x1d: {  	[tilespmem:s9], [sflag:$0x1] =	stream.indirect_vreg.gather [hbm4b:s2+s3], $0x80, v4, vm0, $0xb8;
	[tilespmem:$0x6080] =	vst v63  }
0x1e: {  	_ = 	snop  }
0x1f: {  	[tilespmem:s10], [sflag:$0x1] =	stream.indirect_vreg.gather [hbm4b:s5+s3], $0x80, v4, vm1, $0xb8;
	[tilespmem:$0x6080] =	vst v63  }
0x20: {  	_ = 	snop  }
0x21: {  	[tilespmem:s11], [sflag:$0x1] =	stream.indirect_vreg.gather [hbm4b:s2+s3], $0x80, v3, vm0, $0xb8;
	[tilespmem:$0x6080] =	vst v63  }
0x22: {  	_ = 	snop  }
0x23: {  	[tilespmem:s12], [sflag:$0x1] =	stream.indirect_vreg.gather [hbm4b:s5+s3], $0x80, v3, vm1, $0xb8;
	[tilespmem:$0x6080] =	vst v63  }
0x24: {  	v3 =	vld [tilespmem:$0x10];
	_ =	sdelay $0x4  }
0x25: {  	v61 =	vshrl.u32 v3, $0x3  }
0x26: {  	v4 =	vmul.u32 $0x18, v61  }
0x27: {  	v3 =	vand.u32 $0x7, v3  }
0x28: {  	v3 =	vor.u32 v3, v4  }
0x29: {  	v4 =	vperm.xlane v3, v0;
	_ =	sdelay $0x1  }
0x2a: {  	v4 =	vadd.s32 v1, v4;
	_ =	sdelay $0x1  }
0x2b: {  	v3 =	vperm.xlane v3, v2;
	_ =	sdelay $0x1  }
0x2c: {  	v3 =	vadd.s32 v1, v3  }
0x2d: {  	[tilespmem:s13], [sflag:$0x1] =	stream.indirect_vreg.gather [hbm4b:s2+s3], $0x80, v4, vm0, $0xb8;
	[tilespmem:$0x6080] =	vst v63  }
0x2e: {  	_ = 	snop  }
0x2f: {  	[tilespmem:s14], [sflag:$0x1] =	stream.indirect_vreg.gather [hbm4b:s5+s3], $0x80, v4, vm1, $0xb8;
	[tilespmem:$0x6080] =	vst v63  }
0x30: {  	_ = 	snop  }
0x31: {  	[tilespmem:s15], [sflag:$0x1] =	stream.indirect_vreg.gather [hbm4b:s2+s3], $0x80, v3, vm0, $0xb8;
	[tilespmem:$0x6080] =	vst v63  }
0x32: {  	_ = 	snop  }
0x33: {  	[tilespmem:s16], [sflag:$0x1] =	stream.indirect_vreg.gather [hbm4b:s5+s3], $0x80, v3, vm1, $0xb8;
	[tilespmem:$0x6080] =	vst v63  }
0x34: {  	v3 =	vld [tilespmem:$0x20];
	_ =	sdelay $0x4  }
0x35: {  	v62 =	vshrl.u32 v3, $0x3  }
0x36: {  	v4 =	vmul.u32 $0x18, v62  }
0x37: {  	v3 =	vand.u32 $0x7, v3  }
0x38: {  	v3 =	vor.u32 v3, v4  }
0x39: {  	v4 =	vperm.xlane v3, v0;
	_ =	sdelay $0x1  }
0x3a: {  	v4 =	vadd.s32 v1, v4;
	_ =	sdelay $0x1  }
0x3b: {  	v3 =	vperm.xlane v3, v2;
	_ =	sdelay $0x1  }
0x3c: {  	v3 =	vadd.s32 v1, v3  }
0x3d: {  	[tilespmem:s17], [sflag:$0x1] =	stream.indirect_vreg.gather [hbm4b:s2+s3], $0x80, v4, vm0, $0xb8;
	[tilespmem:$0x6080] =	vst v63  }
0x3e: {  	_ = 	snop  }
0x3f: {  	[tilespmem:s18], [sflag:$0x1] =	stream.indirect_vreg.gather [hbm4b:s5+s3], $0x80, v4, vm1, $0xb8;
	[tilespmem:$0x6080] =	vst v63  }
0x40: {  	_ = 	snop  }
0x41: {  	[tilespmem:s19], [sflag:$0x1] =	stream.indirect_vreg.gather [hbm4b:s2+s3], $0x80, v3, vm0, $0xb8;
	[tilespmem:$0x6080] =	vst v63  }
0x42: {  	_ = 	snop  }
0x43: {  	[tilespmem:s20], [sflag:$0x1] =	stream.indirect_vreg.gather [hbm4b:s5+s3], $0x80, v3, vm1, $0xb8;
	[tilespmem:$0x6080] =	vst v63  }
0x44: {  	v3 =	vld [tilespmem:$0x30];
	_ =	sdelay $0x4  }
0x45: {  	v63 =	vshrl.u32 v3, $0x3  }
0x46: {  	v4 =	vmul.u32 $0x18, v63  }
0x47: {  	v3 =	vand.u32 $0x7, v3  }
0x48: {  	v3 =	vor.u32 v3, v4  }
0x49: {  	v4 =	vperm.xlane v3, v0;
	_ =	sdelay $0x1  }
0x4a: {  	v4 =	vadd.s32 v1, v4;
	_ =	sdelay $0x1  }
0x4b: {  	v3 =	vperm.xlane v3, v2;
	_ =	sdelay $0x1  }
0x4c: {  	v3 =	vadd.s32 v1, v3  }
0x4d: {  	[tilespmem:s21], [sflag:$0x1] =	stream.indirect_vreg.gather [hbm4b:s2+s3], $0x80, v4, vm0, $0xb8;
	[tilespmem:$0x6080] =	vst v63  }
0x4e: {  	_ = 	snop  }
0x4f: {  	[tilespmem:s22], [sflag:$0x1] =	stream.indirect_vreg.gather [hbm4b:s5+s3], $0x80, v4, vm1, $0xb8;
	[tilespmem:$0x6080] =	vst v63  }
0x50: {  	_ = 	snop  }
0x51: {  	[tilespmem:s23], [sflag:$0x1] =	stream.indirect_vreg.gather [hbm4b:s2+s3], $0x80, v3, vm0, $0xb8;
	[tilespmem:$0x6080] =	vst v63  }
0x52: {  	_ = 	snop  }
0x53: {  	[tilespmem:s24], [sflag:$0x1] =	stream.indirect_vreg.gather [hbm4b:s5+s3], $0x80, v3, vm1, $0xb8;
	[tilespmem:$0x6080] =	vst v63  }
0x54: {  	_ =	swait.ge [sflag:s25], $0x6000  }
0x55: {  	p0 =	sne.s32 s7, $0x1;
	[sflag:s25] =	ssyncset.done $0x0  }
.Ltmp0:
0x56: {  	[sflag:s25] =	ssyncadd.s32 $0xFFFFA000;
	(pc) =	sbr.rel @p0 .LBB2_1-.Ltmp0, $4  }
0x57: {  	[hbm4b:s6+s3] =	stream.linear.scatter [tilespmem:s9], [sflag:$0x2], $0x6000, $0x38;
	[tilespmem:$0x6080] =	vst v63  }
0x58: {  	_ =	swait.ge [sflag:s8], $0x6000  }
0x59: {  	[sflag:s8] =	ssyncset.done $0x0  }
0x5a: {  	s7 =	sadd.s32 $0xFFFFFFFF, s7;
	[sflag:s8] =	ssyncadd.s32 $0xFFFFA000  }
0x5b: {  	_ =	sfence.sel $0x180000  }
0x5c: {  	[bflag:$0x0] =	sbarrier.arrive $0xFFFF  }
0x5d: {  	p0 =	sne.s32 s0, $0x0;
	_ =	strace $0x90000050  }
0x5e: {  	s0 =	sadd.s32 @!p0 $0x100000, s1;
	[bflag:$0x2] =	sbarrier.arrive $0xFFFF  }
0x5f: {  	[sflag:s0] =	ssyncadd.tile.s32 @!p0 $0x1;
	_ =	shalt  }
.Lfunc_end2:
_tile_overlayer_lowered:
.L_overlay_start_2:
0x60: {  	(tag) =	ssettag $0x2  }
0x61: {  	s0 =	rddreg [dreg:$0x0];
	s2 =	stileid.u32  }
0x62: {  	s1 =	rddreg [dreg:$0x1];
	p0 =	sne.s32 s2, $0x0  }
0x63: {  	s3 =	rddreg [dreg:$0x2];
	[bflag:$0x3] =	sbarrier.arrive $0xFFFF;
	s2 =	simm.s32 @!p0 $0x1C02  }
0x64: {  	[timem:s3], [sflag:s2] =	dma.local @!p0 [hbm:s0], s1  }
0x65: {  	s0 =	simm.s32 @!p0 $0x2  }
0x66: {  	_ =	swait.ge @!p0 [sflag:s0], s1  }
0x67: {  	s1 =	ssub.s32 @!p0 $0x0, s1;
	[sflag:s0] =	ssyncset.done @!p0 $0x0  }
0x68: {  	[sflag:s0] =	ssyncadd.s32 @!p0 s1  }
0x69: {  	[bflag:$0x3] =	sbarrier.arrive $0xFFFF  }
0x6a: {  	_ =	shalt  }

</sc_bundles>
